<compile_context>
chip_gen: v7x
topology: tpu7x:2x2x1
jax: 0.10.2.dev20260603
libtpu: 0.0.44.dev20260713+nightly
codegen_flags: <defaults>
</compile_context>

<pallas_src>
import jax
import jax.numpy as jnp
from jax import lax
from jax.experimental import pallas as pl
from jax.experimental.pallas import tpu as pltpu
from jax.experimental.pallas import tpu_sc as plsc

RES = 96
C = 129
CM1 = C - 1
NVOX = RES * RES * RES
SCALE = 1.5
N_PTS = 131072

NC, NS, L = 2, 16, 16
NW = NC * NS
PPW = N_PTS // NW
PCHUNK = L
NCHUNK = PPW // PCHUNK
NROW = 8 * PCHUNK

TBLK = 2048

_OFFS = (0, 1, RES, RES + 1, RES * RES, RES * RES + 1,
         RES * RES + RES, RES * RES + RES + 1)


def _tp_body(g_ref, t_ref, e_ref):
    blk = g_ref[...]
    t_ref[...] = blk[:CM1, :].T
    e_ref[...] = blk[CM1, :]


def _build_tables(grid2d):
    return pl.pallas_call(
        _tp_body,
        grid=(NVOX // TBLK,),
        in_specs=[pl.BlockSpec((C, TBLK), lambda i: (0, i))],
        out_specs=[pl.BlockSpec((TBLK, CM1), lambda i: (i, 0)),
                   pl.BlockSpec((TBLK,), lambda i: (i,))],
        out_shape=[jax.ShapeDtypeStruct((NVOX, CM1), jnp.float32),
                   jax.ShapeDtypeStruct((NVOX,), jnp.float32)],
    )(grid2d)


def _sc_body(x_hbm, table_hbm, e_hbm, out_hbm,
             xbuf, idx0, idx1, gbuf0, gbuf1, ebuf0, ebuf1, obuf0, obuf1,
             gsem0, gsem1, esem0, esem1, osem0, osem1):
    wid = lax.axis_index("s") * NC + lax.axis_index("c")
    pt0 = wid * PPW
    lane = jax.lax.iota(jnp.int32, L)

    pltpu.sync_copy(x_hbm.at[pl.ds(pt0 * 3, PPW * 3)], xbuf)

    idxs = (idx0, idx1)
    gbufs = (gbuf0, gbuf1)
    ebufs = (ebuf0, ebuf1)
    obufs = (obuf0, obuf1)
    gsems = (gsem0, gsem1)
    esems = (esem0, esem1)
    osems = (osem0, osem1)
    rvecs = tuple(r * PCHUNK + lane for r in range(8))
    lane_c = lane * C

    def point_params(chunk):
        pvec = chunk * (PCHUNK * 3) + lane * 3
        vx = plsc.load_gather(xbuf, [pvec])
        vy = plsc.load_gather(xbuf, [pvec + 1])
        vz = plsc.load_gather(xbuf, [pvec + 2])

        def axis(v):
            g = (jnp.clip(v / SCALE, -1.0, 1.0) + 1.0) * (0.5 * (RES - 1))
            i0 = g.astype(jnp.int32)
            i0 = jnp.minimum(i0, RES - 2)
            w = g - i0.astype(jnp.float32)
            return i0, w

        ix, wx = axis(vx)
        iy, wy = axis(vy)
        iz, wz = axis(vz)
        base = (iz * RES + iy) * RES + ix
        m = ((jnp.abs(vx) < SCALE) & (jnp.abs(vy) < SCALE)
             & (jnp.abs(vz) < SCALE))
        mf = jnp.where(m, 1.0, 0.0).astype(jnp.float32)
        wz0 = (1.0 - wz) * mf
        wz1 = wz * mf
        a00 = (1.0 - wy) * wz0
        a10 = wy * wz0
        a01 = (1.0 - wy) * wz1
        a11 = wy * wz1
        wx0 = 1.0 - wx
        w8 = (wx0 * a00, wx * a00, wx0 * a10, wx * a10,
              wx0 * a01, wx * a01, wx0 * a11, wx * a11)
        return base, w8

    def build_idx(chunk, b):
        base, _ = point_params(chunk)
        for r in range(8):
            idxs[b][pl.ds(r * PCHUNK, PCHUNK)] = base + _OFFS[r]

    def start_gather(b):
        pltpu.async_copy(table_hbm.at[idxs[b]], gbufs[b], gsems[b])
        pltpu.async_copy(e_hbm.at[idxs[b]], ebufs[b], esems[b])

    build_idx(0, 0)
    start_gather(0)

    @pl.loop(0, NCHUNK, step=2)
    def _outer(i):
        for b in range(2):
            chunk = i + b
            nb = 1 - b

            @pl.when(chunk + 1 < NCHUNK)
            def _():
                build_idx(chunk + 1, nb)
                start_gather(nb)

            _, w8 = point_params(chunk)
            pltpu.make_async_copy(table_hbm.at[idxs[b]], gbufs[b],
                                  gsems[b]).wait()
            pltpu.make_async_copy(e_hbm.at[idxs[b]], ebufs[b],
                                  esems[b]).wait()

            @pl.when(chunk >= 2)
            def _():
                pltpu.make_async_copy(
                    obufs[b], out_hbm.at[pl.ds(0, PCHUNK * C)],
                    osems[b]).wait()

            @pl.loop(0, CM1, unroll=4)
            def _chan(c):
                cv = lax.broadcast_in_dim(c, (L,), ())
                acc = w8[0] * plsc.load_gather(gbufs[b], [rvecs[0], cv])
                for r in range(1, 8):
                    acc = acc + w8[r] * plsc.load_gather(gbufs[b],
                                                         [rvecs[r], cv])
                plsc.store_scatter(obufs[b], [lane_c + cv], acc)

            acc = w8[0] * plsc.load_gather(ebufs[b], [rvecs[0]])
            for r in range(1, 8):
                acc = acc + w8[r] * plsc.load_gather(ebufs[b], [rvecs[r]])
            plsc.store_scatter(obufs[b], [lane_c + CM1], acc)

            e0 = (pt0 + chunk * PCHUNK) * C
            pltpu.async_copy(obufs[b], out_hbm.at[pl.ds(e0, PCHUNK * C)],
                             osems[b])

    for b in range(2):
        pltpu.make_async_copy(obufs[b], out_hbm.at[pl.ds(0, PCHUNK * C)],
                              osems[b]).wait()


@jax.jit
def _sc_sample(x_flat, table, extra):
    mesh = plsc.VectorSubcoreMesh(core_axis_name="c", subcore_axis_name="s",
                                  num_cores=NC, num_subcores=NS)
    return pl.kernel(
        _sc_body,
        out_type=jax.ShapeDtypeStruct((N_PTS * C,), jnp.float32),
        mesh=mesh,
        compiler_params=pltpu.CompilerParams(needs_layout_passes=False,
                                             use_tc_tiling_on_sc=False),
        scratch_types=[
            pltpu.VMEM((PPW * 3,), jnp.float32),
            pltpu.VMEM((NROW,), jnp.int32),
            pltpu.VMEM((NROW,), jnp.int32),
            pltpu.VMEM((NROW, CM1), jnp.float32),
            pltpu.VMEM((NROW, CM1), jnp.float32),
            pltpu.VMEM((NROW,), jnp.float32),
            pltpu.VMEM((NROW,), jnp.float32),
            pltpu.VMEM((PCHUNK * C,), jnp.float32),
            pltpu.VMEM((PCHUNK * C,), jnp.float32),
            pltpu.SemaphoreType.DMA,
            pltpu.SemaphoreType.DMA,
            pltpu.SemaphoreType.DMA,
            pltpu.SemaphoreType.DMA,
            pltpu.SemaphoreType.DMA,
            pltpu.SemaphoreType.DMA,
        ],
    )(x_flat, table, extra)


def kernel(x, voxel_grid):
    table, extra = _build_tables(voxel_grid[0].reshape(C, -1))
    return _sc_sample(x.reshape(-1), table, extra).reshape(N_PTS, C)

# --- scband reference (transcript-rebuilt; emitter-appended) ---
"""Pipeline reference for scband-sdfnetwork-15874199126510 (READ-ONLY COPY).

The authoritative reference and input builder live on the scoring server;
editing this copy changes nothing except your own understanding.
"""

import jax, jax.numpy as jnp
import numpy as np

RES = 96
C = 129
SCALE = 1.5
N_PTS = 131072


def setup_inputs(seed: int = 0) -> dict:
    key = jax.random.key(seed)
    x = jax.random.normal(key, (N_PTS, 3), dtype=jnp.float32)
    voxel_grid = jnp.ones((1, C, RES, RES, RES), dtype=jnp.float32) * 0.3
    return {"x": x, "voxel_grid": voxel_grid}


def _trilinear_sample(voxel_grid, coords):
    # voxel_grid: (1, C, D, H, W); coords: (M, 3) normalized in [-1, 1], order (x, y, z)
    # Mimics torch grid_sample(mode='bilinear', align_corners=True) for 5D input.
    _, Cc, D, H, W = voxel_grid.shape
    gx = (coords[:, 0] + 1.0) * 0.5 * (W - 1)
    gy = (coords[:, 1] + 1.0) * 0.5 * (H - 1)
    gz = (coords[:, 2] + 1.0) * 0.5 * (D - 1)
    x0f = jnp.clip(jnp.floor(gx), 0, W - 1)
    y0f = jnp.clip(jnp.floor(gy), 0, H - 1)
    z0f = jnp.clip(jnp.floor(gz), 0, D - 1)
    wx = gx - x0f
    wy = gy - y0f
    wz = gz - z0f
    x0 = x0f.astype(jnp.int32)
    y0 = y0f.astype(jnp.int32)
    z0 = z0f.astype(jnp.int32)
    x1 = jnp.clip(x0 + 1, 0, W - 1)
    y1 = jnp.clip(y0 + 1, 0, H - 1)
    z1 = jnp.clip(z0 + 1, 0, D - 1)
    flat = voxel_grid[0].reshape(Cc, -1).T  # (D*H*W, C)

    def gat(zi, yi, xi):
        lin = zi * (H * W) + yi * W + xi
        return jnp.take(flat, lin, axis=0)  # (M, C)

    out = (
        gat(z0, y0, x0) * ((1 - wx) * (1 - wy) * (1 - wz))[:, None]
        + gat(z0, y0, x1) * (wx * (1 - wy) * (1 - wz))[:, None]
        + gat(z0, y1, x0) * ((1 - wx) * wy * (1 - wz))[:, None]
        + gat(z0, y1, x1) * (wx * wy * (1 - wz))[:, None]
        + gat(z1, y0, x0) * ((1 - wx) * (1 - wy) * wz)[:, None]
        + gat(z1, y0, x1) * (wx * (1 - wy) * wz)[:, None]
        + gat(z1, y1, x0) * ((1 - wx) * wy * wz)[:, None]
        + gat(z1, y1, x1) * (wx * wy * wz)[:, None]
    )
    return out


def reference(x, voxel_grid):
    # Faithful translation of SDFNetwork.forward:
    #   out = zeros(N, C); mask = all(|x| < scale); out[mask] = grid_sample(grid, clip(x[mask]/scale, -1, 1))
    # Since sampling coords are clipped to [-1,1] anyway, we sample all points then zero out
    # rows failing the mask -> identical output to the torch masked-scatter version.
    mask = (jnp.abs(x[:, 0]) < SCALE) & (jnp.abs(x[:, 1]) < SCALE) & (jnp.abs(x[:, 2]) < SCALE)
    coords = jnp.clip(x / SCALE, -1.0, 1.0)
    sampled = _trilinear_sample(voxel_grid, coords)
    out = jnp.where(mask[:, None], sampled, 0.0)
    return out

if __name__ == "__main__":
    import jax
    _d = setup_inputs()
    print(jax.jit(kernel)(*tuple(_d.values())))

</pallas_src>

<mosaic_0001>
#map = affine_map<(d0, d1) -> (0)>
#map1 = affine_map<(d0, d1) -> (0, 0)>
module attributes {stable_mosaic.version = 14 : i64} {
  func.func @_sc_body(%arg0: i32, %arg1: i32, %arg2: memref<393216xf32, #tpu.memory_space<hbm>>, %arg3: memref<884736x128xf32, #tpu.memory_space<hbm>>, %arg4: memref<884736xf32, #tpu.memory_space<hbm>>, %arg5: memref<16908288xf32, #tpu.memory_space<hbm>>, %arg6: memref<12288xf32, #tpu.memory_space<vmem>>, %arg7: memref<128xi32, #tpu.memory_space<vmem>>, %arg8: memref<128xi32, #tpu.memory_space<vmem>>, %arg9: memref<128x128xf32, #tpu.memory_space<vmem>>, %arg10: memref<128x128xf32, #tpu.memory_space<vmem>>, %arg11: memref<128xf32, #tpu.memory_space<vmem>>, %arg12: memref<128xf32, #tpu.memory_space<vmem>>, %arg13: memref<2064xf32, #tpu.memory_space<vmem>>, %arg14: memref<2064xf32, #tpu.memory_space<vmem>>, %arg15: memref<!tpu.dma_semaphore, #tpu.memory_space<semaphore_mem>>, %arg16: memref<!tpu.dma_semaphore, #tpu.memory_space<semaphore_mem>>, %arg17: memref<!tpu.dma_semaphore, #tpu.memory_space<semaphore_mem>>, %arg18: memref<!tpu.dma_semaphore, #tpu.memory_space<semaphore_mem>>, %arg19: memref<!tpu.dma_semaphore, #tpu.memory_space<semaphore_mem>>, %arg20: memref<!tpu.dma_semaphore, #tpu.memory_space<semaphore_mem>>) attributes {dimension_semantics = [#tpu.dimension_semantics<core_parallel>, #tpu.dimension_semantics<subcore_parallel>], iteration_bounds = array<i64: 2, 16>, scalar_prefetch = 0 : i64, scratch_operands = 15 : i64, tpu.core_type = #tpu.core_type<sc_vector_subcore>, window_params = [{transform_indices = #map}, {transform_indices = #map1}, {transform_indices = #map}, {transform_indices = #map}]} {
    %mul3A = arith.constant 2 : i32
    %mul3A_0 = arith.muli %arg1, %mul3A : i32
    %add3A = arith.addi %mul3A_0, %arg0 : i32
    %mul3A_1 = arith.constant 4096 : i32
    %mul3A_2 = arith.muli %add3A, %mul3A_1 : i32
    %iota3A = tpu.iota {dimensions = array<i32: 0>} : vector<16xi32>
    %mul3A_3 = arith.constant 3 : i32
    %mul3A_4 = arith.muli %mul3A_2, %mul3A_3 : i32
    "tpu.region"() ({
      %run_scoped3A = tpu.sem_alloc : memref<!tpu.dma_semaphore, #tpu.memory_space<semaphore_mem>>
      %dma_start3A_205 = tpu.memref_slice %arg2[%mul3A_4] : memref<393216xf32, #tpu.memory_space<hbm>> -> memref<12288xf32, #tpu.memory_space<hbm>>
      %dma_start3A_206 = tpu.memref_slice %arg2[%mul3A_4] : memref<393216xf32, #tpu.memory_space<hbm>> -> memref<12288xf32, #tpu.memory_space<hbm>>
      tpu.enqueue_dma source(%dma_start3A_206 : memref<12288xf32, #tpu.memory_space<hbm>>) target(%arg6 : memref<12288xf32, #tpu.memory_space<vmem>>) target_semaphore(%run_scoped3A : memref<!tpu.dma_semaphore, #tpu.memory_space<semaphore_mem>>)
      %dma_wait3A_207 = tpu.memref_slice %arg2[%mul3A_4] : memref<393216xf32, #tpu.memory_space<hbm>> -> memref<12288xf32, #tpu.memory_space<hbm>>
      %dma_wait3A_208 = tpu.memref_slice %arg2[%mul3A_4] : memref<393216xf32, #tpu.memory_space<hbm>> -> memref<12288xf32, #tpu.memory_space<hbm>>
      tpu.wait_dma2 semaphore(%run_scoped3A : memref<!tpu.dma_semaphore, #tpu.memory_space<semaphore_mem>>) src(%dma_wait3A_208 : memref<12288xf32, #tpu.memory_space<hbm>>) dst(%arg6 : memref<12288xf32, #tpu.memory_space<vmem>>)
      tpu.yield
    }) : () -> ()
    %add3A_5 = arith.constant 0 : i32
    %add3A_6 = vector.broadcast %add3A_5 : i32 to vector<16xi32>
    %add3A_7 = arith.addi %add3A_6, %iota3A : vector<16xi32>
    %add3A_8 = arith.constant 16 : i32
    %add3A_9 = vector.broadcast %add3A_8 : i32 to vector<16xi32>
    %add3A_10 = arith.addi %add3A_9, %iota3A : vector<16xi32>
    %add3A_11 = arith.constant 32 : i32
    %add3A_12 = vector.broadcast %add3A_11 : i32 to vector<16xi32>
    %add3A_13 = arith.addi %add3A_12, %iota3A : vector<16xi32>
    %add3A_14 = arith.constant 48 : i32
    %add3A_15 = vector.broadcast %add3A_14 : i32 to vector<16xi32>
    %add3A_16 = arith.addi %add3A_15, %iota3A : vector<16xi32>
    %add3A_17 = arith.constant 64 : i32
    %add3A_18 = vector.broadcast %add3A_17 : i32 to vector<16xi32>
    %add3A_19 = arith.addi %add3A_18, %iota3A : vector<16xi32>
    %add3A_20 = arith.constant 80 : i32
    %add3A_21 = vector.broadcast %add3A_20 : i32 to vector<16xi32>
    %add3A_22 = arith.addi %add3A_21, %iota3A : vector<16xi32>
    %add3A_23 = arith.constant 96 : i32
    %add3A_24 = vector.broadcast %add3A_23 : i32 to vector<16xi32>
    %add3A_25 = arith.addi %add3A_24, %iota3A : vector<16xi32>
    %add3A_26 = arith.constant 112 : i32
    %add3A_27 = vector.broadcast %add3A_26 : i32 to vector<16xi32>
    %add3A_28 = arith.addi %add3A_27, %iota3A : vector<16xi32>
    %mul3A_29 = arith.constant 129 : i32
    %mul3A_30 = vector.broadcast %mul3A_29 : i32 to vector<16xi32>
    %mul3A_31 = arith.muli %iota3A, %mul3A_30 : vector<16xi32>
    %mul3A_32 = arith.constant 3 : i32
    %mul3A_33 = vector.broadcast %mul3A_32 : i32 to vector<16xi32>
    %mul3A_34 = arith.muli %iota3A, %mul3A_33 : vector<16xi32>
    %add3A_35 = arith.constant 0 : i32
    %add3A_36 = vector.broadcast %add3A_35 : i32 to vector<16xi32>
    %add3A_37 = arith.addi %add3A_36, %mul3A_34 : vector<16xi32>
    %gather3A = tpu.vector_load_idx %arg6[%add3A_37] : memref<12288xf32, #tpu.memory_space<vmem>>[vector<16xi32>], vector<16xf32>,
    %add3A_38 = arith.constant 1 : i32
    %add3A_39 = vector.broadcast %add3A_38 : i32 to vector<16xi32>
    %add3A_40 = arith.addi %add3A_37, %add3A_39 : vector<16xi32>
    %gather3A_41 = tpu.vector_load_idx %arg6[%add3A_40] : memref<12288xf32, #tpu.memory_space<vmem>>[vector<16xi32>], vector<16xf32>,
    %add3A_42 = arith.constant 2 : i32
    %add3A_43 = vector.broadcast %add3A_42 : i32 to vector<16xi32>
    %add3A_44 = arith.addi %add3A_37, %add3A_43 : vector<16xi32>
    %gather3A_45 = tpu.vector_load_idx %arg6[%add3A_44] : memref<12288xf32, #tpu.memory_space<vmem>>[vector<16xi32>], vector<16xf32>,
    %div3A = arith.constant 1.500000e+00 : f32
    %div3A_46 = vector.broadcast %div3A : f32 to vector<16xf32>
    %div3A_47 = arith.divf %gather3A, %div3A_46 : vector<16xf32>
    %jit3A = arith.constant -1.000000e+00 : f32
    %jit3A_48 = arith.constant 1.000000e+00 : f32
    %max3A = vector.broadcast %jit3A : f32 to vector<16xf32>
    %max3A_49 = arith.maximumf %max3A, %div3A_47 : vector<16xf32>
    %min3A = vector.broadcast %jit3A_48 : f32 to vector<16xf32>
    %min3A_50 = arith.minimumf %min3A, %max3A_49 : vector<16xf32>
    %add3A_51 = arith.constant 1.000000e+00 : f32
    %add3A_52 = vector.broadcast %add3A_51 : f32 to vector<16xf32>
    %add3A_53 = arith.addf %min3A_50, %add3A_52 : vector<16xf32>
    %mul3A_54 = arith.constant 4.750000e+01 : f32
    %mul3A_55 = vector.broadcast %mul3A_54 : f32 to vector<16xf32>
    %mul3A_56 = arith.mulf %add3A_53, %mul3A_55 : vector<16xf32>
    %convert_element_type3A = arith.fptosi %mul3A_56 : vector<16xf32> to vector<16xi32>
    %min3A_57 = arith.constant 94 : i32
    %min3A_58 = vector.broadcast %min3A_57 : i32 to vector<16xi32>
    %min3A_59 = arith.minsi %convert_element_type3A, %min3A_58 : vector<16xi32>
    %convert_element_type3A_60 = arith.sitofp %min3A_59 : vector<16xi32> to vector<16xf32>
    %sub3A = arith.subf %mul3A_56, %convert_element_type3A_60 : vector<16xf32>
    %div3A_61 = arith.constant 1.500000e+00 : f32
    %div3A_62 = vector.broadcast %div3A_61 : f32 to vector<16xf32>
    %div3A_63 = arith.divf %gather3A_41, %div3A_62 : vector<16xf32>
    %jit3A_64 = arith.constant -1.000000e+00 : f32
    %jit3A_65 = arith.constant 1.000000e+00 : f32
    %max3A_66 = vector.broadcast %jit3A_64 : f32 to vector<16xf32>
    %max3A_67 = arith.maximumf %max3A_66, %div3A_63 : vector<16xf32>
    %min3A_68 = vector.broadcast %jit3A_65 : f32 to vector<16xf32>
    %min3A_69 = arith.minimumf %min3A_68, %max3A_67 : vector<16xf32>
    %add3A_70 = arith.constant 1.000000e+00 : f32
    %add3A_71 = vector.broadcast %add3A_70 : f32 to vector<16xf32>
    %add3A_72 = arith.addf %min3A_69, %add3A_71 : vector<16xf32>
    %mul3A_73 = arith.constant 4.750000e+01 : f32
    %mul3A_74 = vector.broadcast %mul3A_73 : f32 to vector<16xf32>
    %mul3A_75 = arith.mulf %add3A_72, %mul3A_74 : vector<16xf32>
    %convert_element_type3A_76 = arith.fptosi %mul3A_75 : vector<16xf32> to vector<16xi32>
    %min3A_77 = arith.constant 94 : i32
    %min3A_78 = vector.broadcast %min3A_77 : i32 to vector<16xi32>
    %min3A_79 = arith.minsi %convert_element_type3A_76, %min3A_78 : vector<16xi32>
    %convert_element_type3A_80 = arith.sitofp %min3A_79 : vector<16xi32> to vector<16xf32>
    %sub3A_81 = arith.subf %mul3A_75, %convert_element_type3A_80 : vector<16xf32>
    %div3A_82 = arith.constant 1.500000e+00 : f32
    %div3A_83 = vector.broadcast %div3A_82 : f32 to vector<16xf32>
    %div3A_84 = arith.divf %gather3A_45, %div3A_83 : vector<16xf32>
    %jit3A_85 = arith.constant -1.000000e+00 : f32
    %jit3A_86 = arith.constant 1.000000e+00 : f32
    %max3A_87 = vector.broadcast %jit3A_85 : f32 to vector<16xf32>
    %max3A_88 = arith.maximumf %max3A_87, %div3A_84 : vector<16xf32>
    %min3A_89 = vector.broadcast %jit3A_86 : f32 to vector<16xf32>
    %min3A_90 = arith.minimumf %min3A_89, %max3A_88 : vector<16xf32>
    %add3A_91 = arith.constant 1.000000e+00 : f32
    %add3A_92 = vector.broadcast %add3A_91 : f32 to vector<16xf32>
    %add3A_93 = arith.addf %min3A_90, %add3A_92 : vector<16xf32>
    %mul3A_94 = arith.constant 4.750000e+01 : f32
    %mul3A_95 = vector.broadcast %mul3A_94 : f32 to vector<16xf32>
    %mul3A_96 = arith.mulf %add3A_93, %mul3A_95 : vector<16xf32>
    %convert_element_type3A_97 = arith.fptosi %mul3A_96 : vector<16xf32> to vector<16xi32>
    %min3A_98 = arith.constant 94 : i32
    %min3A_99 = vector.broadcast %min3A_98 : i32 to vector<16xi32>
    %min3A_100 = arith.minsi %convert_element_type3A_97, %min3A_99 : vector<16xi32>
    %convert_element_type3A_101 = arith.sitofp %min3A_100 : vector<16xi32> to vector<16xf32>
    %sub3A_102 = arith.subf %mul3A_96, %convert_element_type3A_101 : vector<16xf32>
    %mul3A_103 = arith.constant 96 : i32
    %mul3A_104 = vector.broadcast %mul3A_103 : i32 to vector<16xi32>
    %mul3A_105 = arith.muli %min3A_100, %mul3A_104 : vector<16xi32>
    %add3A_106 = arith.addi %mul3A_105, %min3A_79 : vector<16xi32>
    %mul3A_107 = arith.constant 96 : i32
    %mul3A_108 = vector.broadcast %mul3A_107 : i32 to vector<16xi32>
    %mul3A_109 = arith.muli %add3A_106, %mul3A_108 : vector<16xi32>
    %add3A_110 = arith.addi %mul3A_109, %min3A_59 : vector<16xi32>
    %abs3A = math.absf %gather3A : vector<16xf32>
    %lt3A = arith.constant 1.500000e+00 : f32
    %lt3A_111 = vector.broadcast %lt3A : f32 to vector<16xf32>
    %lt3A_112 = arith.cmpf olt, %abs3A, %lt3A_111 : vector<16xf32>
    %abs3A_113 = math.absf %gather3A_41 : vector<16xf32>
    %lt3A_114 = arith.constant 1.500000e+00 : f32
    %lt3A_115 = vector.broadcast %lt3A_114 : f32 to vector<16xf32>
    %lt3A_116 = arith.cmpf olt, %abs3A_113, %lt3A_115 : vector<16xf32>
    %and3A = arith.andi %lt3A_112, %lt3A_116 : vector<16xi1>
    %abs3A_117 = math.absf %gather3A_45 : vector<16xf32>
    %lt3A_118 = arith.constant 1.500000e+00 : f32
    %lt3A_119 = vector.broadcast %lt3A_118 : f32 to vector<16xf32>
    %lt3A_120 = arith.cmpf olt, %abs3A_117, %lt3A_119 : vector<16xf32>
    %and3A_121 = arith.andi %and3A, %lt3A_120 : vector<16xi1>
    %jit3A_122 = arith.constant 1.000000e+00 : f32
    %jit3A_123 = arith.constant 0.000000e+00 : f32
    %broadcast_in_dim3A = vector.broadcast %jit3A_122 : f32 to vector<16xf32>
    %broadcast_in_dim3A_124 = vector.broadcast %jit3A_123 : f32 to vector<16xf32>
    %select_n3A = arith.select %and3A_121, %broadcast_in_dim3A, %broadcast_in_dim3A_124 : vector<16xi1>, vector<16xf32>
    %sub3A_125 = arith.constant 1.000000e+00 : f32
    %sub3A_126 = vector.broadcast %sub3A_125 : f32 to vector<16xf32>
    %sub3A_127 = arith.subf %sub3A_126, %sub3A_102 : vector<16xf32>
    %mul3A_128 = arith.mulf %sub3A_127, %select_n3A : vector<16xf32>
    %mul3A_129 = arith.mulf %sub3A_102, %select_n3A : vector<16xf32>
    %sub3A_130 = arith.constant 1.000000e+00 : f32
    %sub3A_131 = vector.broadcast %sub3A_130 : f32 to vector<16xf32>
    %sub3A_132 = arith.subf %sub3A_131, %sub3A_81 : vector<16xf32>
    %mul3A_133 = arith.mulf %sub3A_132, %mul3A_128 : vector<16xf32>
    %mul3A_134 = arith.mulf %sub3A_81, %mul3A_128 : vector<16xf32>
    %sub3A_135 = arith.constant 1.000000e+00 : f32
    %sub3A_136 = vector.broadcast %sub3A_135 : f32 to vector<16xf32>
    %sub3A_137 = arith.subf %sub3A_136, %sub3A_81 : vector<16xf32>
    %mul3A_138 = arith.mulf %sub3A_137, %mul3A_129 : vector<16xf32>
    %mul3A_139 = arith.mulf %sub3A_81, %mul3A_129 : vector<16xf32>
    %sub3A_140 = arith.constant 1.000000e+00 : f32
    %sub3A_141 = vector.broadcast %sub3A_140 : f32 to vector<16xf32>
    %sub3A_142 = arith.subf %sub3A_141, %sub3A : vector<16xf32>
    %mul3A_143 = arith.mulf %sub3A_142, %mul3A_133 : vector<16xf32>
    %mul3A_144 = arith.mulf %sub3A, %mul3A_133 : vector<16xf32>
    %mul3A_145 = arith.mulf %sub3A_142, %mul3A_134 : vector<16xf32>
    %mul3A_146 = arith.mulf %sub3A, %mul3A_134 : vector<16xf32>
    %mul3A_147 = arith.mulf %sub3A_142, %mul3A_138 : vector<16xf32>
    %mul3A_148 = arith.mulf %sub3A, %mul3A_138 : vector<16xf32>
    %mul3A_149 = arith.mulf %sub3A_142, %mul3A_139 : vector<16xf32>
    %mul3A_150 = arith.mulf %sub3A, %mul3A_139 : vector<16xf32>
    %add3A_151 = arith.constant 0 : i32
    %add3A_152 = vector.broadcast %add3A_151 : i32 to vector<16xi32>
    %add3A_153 = arith.addi %add3A_110, %add3A_152 : vector<16xi32>
    %swap3A = arith.constant 0 : index
    %swap3A_154 = tpu.vector_load %arg7[%swap3A] {strides = array<i32>} : memref<128xi32, #tpu.memory_space<vmem>>, vector<16xi32>,
    tpu.vector_store %arg7[%swap3A], %add3A_153 {strides = array<i32>} : memref<128xi32, #tpu.memory_space<vmem>>, vector<16xi32>,
    %add3A_155 = arith.constant 1 : i32
    %add3A_156 = vector.broadcast %add3A_155 : i32 to vector<16xi32>
    %add3A_157 = arith.addi %add3A_110, %add3A_156 : vector<16xi32>
    %swap3A_158 = arith.constant 16 : index
    %swap3A_159 = tpu.vector_load %arg7[%swap3A_158] {strides = array<i32>} : memref<128xi32, #tpu.memory_space<vmem>>, vector<16xi32>,
    tpu.vector_store %arg7[%swap3A_158], %add3A_157 {strides = array<i32>} : memref<128xi32, #tpu.memory_space<vmem>>, vector<16xi32>,
    %add3A_160 = arith.constant 96 : i32
    %add3A_161 = vector.broadcast %add3A_160 : i32 to vector<16xi32>
    %add3A_162 = arith.addi %add3A_110, %add3A_161 : vector<16xi32>
    %swap3A_163 = arith.constant 32 : index
    %swap3A_164 = tpu.vector_load %arg7[%swap3A_163] {strides = array<i32>} : memref<128xi32, #tpu.memory_space<vmem>>, vector<16xi32>,
    tpu.vector_store %arg7[%swap3A_163], %add3A_162 {strides = array<i32>} : memref<128xi32, #tpu.memory_space<vmem>>, vector<16xi32>,
    %add3A_165 = arith.constant 97 : i32
    %add3A_166 = vector.broadcast %add3A_165 : i32 to vector<16xi32>
    %add3A_167 = arith.addi %add3A_110, %add3A_166 : vector<16xi32>
    %swap3A_168 = arith.constant 48 : index
    %swap3A_169 = tpu.vector_load %arg7[%swap3A_168] {strides = array<i32>} : memref<128xi32, #tpu.memory_space<vmem>>, vector<16xi32>,
    tpu.vector_store %arg7[%swap3A_168], %add3A_167 {strides = array<i32>} : memref<128xi32, #tpu.memory_space<vmem>>, vector<16xi32>,
    %add3A_170 = arith.constant 9216 : i32
    %add3A_171 = vector.broadcast %add3A_170 : i32 to vector<16xi32>
    %add3A_172 = arith.addi %add3A_110, %add3A_171 : vector<16xi32>
    %swap3A_173 = arith.constant 64 : index
    %swap3A_174 = tpu.vector_load %arg7[%swap3A_173] {strides = array<i32>} : memref<128xi32, #tpu.memory_space<vmem>>, vector<16xi32>,
    tpu.vector_store %arg7[%swap3A_173], %add3A_172 {strides = array<i32>} : memref<128xi32, #tpu.memory_space<vmem>>, vector<16xi32>,
    %add3A_175 = arith.constant 9217 : i32
    %add3A_176 = vector.broadcast %add3A_175 : i32 to vector<16xi32>
    %add3A_177 = arith.addi %add3A_110, %add3A_176 : vector<16xi32>
    %swap3A_178 = arith.constant 80 : index
    %swap3A_179 = tpu.vector_load %arg7[%swap3A_178] {strides = array<i32>} : memref<128xi32, #tpu.memory_space<vmem>>, vector<16xi32>,
    tpu.vector_store %arg7[%swap3A_178], %add3A_177 {strides = array<i32>} : memref<128xi32, #tpu.memory_space<vmem>>, vector<16xi32>,
    %add3A_180 = arith.constant 9312 : i32
    %add3A_181 = vector.broadcast %add3A_180 : i32 to vector<16xi32>
    %add3A_182 = arith.addi %add3A_110, %add3A_181 : vector<16xi32>
    %swap3A_183 = arith.constant 96 : index
    %swap3A_184 = tpu.vector_load %arg7[%swap3A_183] {strides = array<i32>} : memref<128xi32, #tpu.memory_space<vmem>>, vector<16xi32>,
    tpu.vector_store %arg7[%swap3A_183], %add3A_182 {strides = array<i32>} : memref<128xi32, #tpu.memory_space<vmem>>, vector<16xi32>,
    %add3A_185 = arith.constant 9313 : i32
    %add3A_186 = vector.broadcast %add3A_185 : i32 to vector<16xi32>
    %add3A_187 = arith.addi %add3A_110, %add3A_186 : vector<16xi32>
    %swap3A_188 = arith.constant 112 : index
    %swap3A_189 = tpu.vector_load %arg7[%swap3A_188] {strides = array<i32>} : memref<128xi32, #tpu.memory_space<vmem>>, vector<16xi32>,
    tpu.vector_store %arg7[%swap3A_188], %add3A_187 {strides = array<i32>} : memref<128xi32, #tpu.memory_space<vmem>>, vector<16xi32>,
    %dma_start3A = arith.constant 0 : i32
    %dma_start3A_190 = arith.constant 0 : i32
    %dma_start3A_191 = tpu.memref_slice %arg3[%dma_start3A, %dma_start3A_190] : memref<884736x128xf32, #tpu.memory_space<hbm>> -> memref<884736x128xf32, #tpu.memory_space<hbm>>
    tpu.enqueue_indirect_dma source(%dma_start3A_191 : memref<884736x128xf32, #tpu.memory_space<hbm>>) target(%arg9 : memref<128x128xf32, #tpu.memory_space<vmem>>) offsets(%arg7 : memref<128xi32, #tpu.memory_space<vmem>>) semaphore(%arg15 : memref<!tpu.dma_semaphore, #tpu.memory_space<semaphore_mem>>)
    %dma_start3A_192 = arith.constant 0 : i32
    %dma_start3A_193 = tpu.memref_slice %arg4[%dma_start3A_192] : memref<884736xf32, #tpu.memory_space<hbm>> -> memref<884736xf32, #tpu.memory_space<hbm>>
    tpu.enqueue_indirect_dma source(%dma_start3A_193 : memref<884736xf32, #tpu.memory_space<hbm>>) target(%arg11 : memref<128xf32, #tpu.memory_space<vmem>>) offsets(%arg7 : memref<128xi32, #tpu.memory_space<vmem>>) semaphore(%arg17 : memref<!tpu.dma_semaphore, #tpu.memory_space<semaphore_mem>>)
    %scan3A = arith.constant 0 : i32
    %scan3A_194 = arith.constant 128 : i32
    %scan3A_195 = arith.addi %scan3A, %scan3A_194 : i32
    %scan3A_196 = arith.constant 1 : i32
    scf.for %scan3A_205 = %scan3A to %scan3A_195 step %scan3A_196  : i32 {
      %mul3A_206 = arith.constant 2 : i32
      %mul3A_207 = arith.muli %scan3A_205, %mul3A_206 : i32
      %add3A_208 = arith.constant 0 : i32
      %add3A_209 = arith.addi %add3A_208, %mul3A_207 : i32
      %add3A_210 = arith.constant 0 : i32
      %add3A_211 = arith.addi %add3A_209, %add3A_210 : i32
      %add3A_212 = arith.constant 1 : i32
      %add3A_213 = arith.addi %add3A_211, %add3A_212 : i32
      %lt3A_214 = arith.constant 256 : i32
      %lt3A_215 = arith.cmpi slt, %add3A_213, %lt3A_214 : i32
      %convert_element_type3A_216 = arith.extui %lt3A_215 : i1 to i32
      %cond3A = arith.constant 0 : i32
      %cond3A_217 = arith.cmpi ne, %convert_element_type3A_216, %cond3A : i32
      scf.if %cond3A_217 {
        %add3A_586 = arith.constant 1 : i32
        %add3A_587 = arith.addi %add3A_211, %add3A_586 : i32
        %mul3A_588 = arith.constant 48 : i32
        %mul3A_589 = arith.muli %add3A_587, %mul3A_588 : i32
        %mul3A_590 = arith.constant 3 : i32
        %mul3A_591 = vector.broadcast %mul3A_590 : i32 to vector<16xi32>
        %mul3A_592 = arith.muli %iota3A, %mul3A_591 : vector<16xi32>
        %add3A_593 = vector.broadcast %mul3A_589 : i32 to vector<16xi32>
        %add3A_594 = arith.addi %add3A_593, %mul3A_592 : vector<16xi32>
        %gather3A_595 = tpu.vector_load_idx %arg6[%add3A_594] : memref<12288xf32, #tpu.memory_space<vmem>>[vector<16xi32>], vector<16xf32>,
        %add3A_596 = arith.constant 1 : i32
        %add3A_597 = vector.broadcast %add3A_596 : i32 to vector<16xi32>
        %add3A_598 = arith.addi %add3A_594, %add3A_597 : vector<16xi32>
        %gather3A_599 = tpu.vector_load_idx %arg6[%add3A_598] : memref<12288xf32, #tpu.memory_space<vmem>>[vector<16xi32>], vector<16xf32>,
        %add3A_600 = arith.constant 2 : i32
        %add3A_601 = vector.broadcast %add3A_600 : i32 to vector<16xi32>
        %add3A_602 = arith.addi %add3A_594, %add3A_601 : vector<16xi32>
        %gather3A_603 = tpu.vector_load_idx %arg6[%add3A_602] : memref<12288xf32, #tpu.memory_space<vmem>>[vector<16xi32>], vector<16xf32>,
        %div3A_604 = arith.constant 1.500000e+00 : f32
        %div3A_605 = vector.broadcast %div3A_604 : f32 to vector<16xf32>
        %div3A_606 = arith.divf %gather3A_595, %div3A_605 : vector<16xf32>
        %jit3A_607 = arith.constant -1.000000e+00 : f32
        %jit3A_608 = arith.constant 1.000000e+00 : f32
        %max3A_609 = vector.broadcast %jit3A_607 : f32 to vector<16xf32>
        %max3A_610 = arith.maximumf %max3A_609, %div3A_606 : vector<16xf32>
        %min3A_611 = vector.broadcast %jit3A_608 : f32 to vector<16xf32>
        %min3A_612 = arith.minimumf %min3A_611, %max3A_610 : vector<16xf32>
        %add3A_613 = arith.constant 1.000000e+00 : f32
        %add3A_614 = vector.broadcast %add3A_613 : f32 to vector<16xf32>
        %add3A_615 = arith.addf %min3A_612, %add3A_614 : vector<16xf32>
        %mul3A_616 = arith.constant 4.750000e+01 : f32
        %mul3A_617 = vector.broadcast %mul3A_616 : f32 to vector<16xf32>
        %mul3A_618 = arith.mulf %add3A_615, %mul3A_617 : vector<16xf32>
        %convert_element_type3A_619 = arith.fptosi %mul3A_618 : vector<16xf32> to vector<16xi32>
        %min3A_620 = arith.constant 94 : i32
        %min3A_621 = vector.broadcast %min3A_620 : i32 to vector<16xi32>
        %min3A_622 = arith.minsi %convert_element_type3A_619, %min3A_621 : vector<16xi32>
        %convert_element_type3A_623 = arith.sitofp %min3A_622 : vector<16xi32> to vector<16xf32>
        %sub3A_624 = arith.subf %mul3A_618, %convert_element_type3A_623 : vector<16xf32>
        %div3A_625 = arith.constant 1.500000e+00 : f32
        %div3A_626 = vector.broadcast %div3A_625 : f32 to vector<16xf32>
        %div3A_627 = arith.divf %gather3A_599, %div3A_626 : vector<16xf32>
        %jit3A_628 = arith.constant -1.000000e+00 : f32
        %jit3A_629 = arith.constant 1.000000e+00 : f32
        %max3A_630 = vector.broadcast %jit3A_628 : f32 to vector<16xf32>
        %max3A_631 = arith.maximumf %max3A_630, %div3A_627 : vector<16xf32>
        %min3A_632 = vector.broadcast %jit3A_629 : f32 to vector<16xf32>
        %min3A_633 = arith.minimumf %min3A_632, %max3A_631 : vector<16xf32>
        %add3A_634 = arith.constant 1.000000e+00 : f32
        %add3A_635 = vector.broadcast %add3A_634 : f32 to vector<16xf32>
        %add3A_636 = arith.addf %min3A_633, %add3A_635 : vector<16xf32>
        %mul3A_637 = arith.constant 4.750000e+01 : f32
        %mul3A_638 = vector.broadcast %mul3A_637 : f32 to vector<16xf32>
        %mul3A_639 = arith.mulf %add3A_636, %mul3A_638 : vector<16xf32>
        %convert_element_type3A_640 = arith.fptosi %mul3A_639 : vector<16xf32> to vector<16xi32>
        %min3A_641 = arith.constant 94 : i32
        %min3A_642 = vector.broadcast %min3A_641 : i32 to vector<16xi32>
        %min3A_643 = arith.minsi %convert_element_type3A_640, %min3A_642 : vector<16xi32>
        %convert_element_type3A_644 = arith.sitofp %min3A_643 : vector<16xi32> to vector<16xf32>
        %sub3A_645 = arith.subf %mul3A_639, %convert_element_type3A_644 : vector<16xf32>
        %div3A_646 = arith.constant 1.500000e+00 : f32
        %div3A_647 = vector.broadcast %div3A_646 : f32 to vector<16xf32>
        %div3A_648 = arith.divf %gather3A_603, %div3A_647 : vector<16xf32>
        %jit3A_649 = arith.constant -1.000000e+00 : f32
        %jit3A_650 = arith.constant 1.000000e+00 : f32
        %max3A_651 = vector.broadcast %jit3A_649 : f32 to vector<16xf32>
        %max3A_652 = arith.maximumf %max3A_651, %div3A_648 : vector<16xf32>
        %min3A_653 = vector.broadcast %jit3A_650 : f32 to vector<16xf32>
        %min3A_654 = arith.minimumf %min3A_653, %max3A_652 : vector<16xf32>
        %add3A_655 = arith.constant 1.000000e+00 : f32
        %add3A_656 = vector.broadcast %add3A_655 : f32 to vector<16xf32>
        %add3A_657 = arith.addf %min3A_654, %add3A_656 : vector<16xf32>
        %mul3A_658 = arith.constant 4.750000e+01 : f32
        %mul3A_659 = vector.broadcast %mul3A_658 : f32 to vector<16xf32>
        %mul3A_660 = arith.mulf %add3A_657, %mul3A_659 : vector<16xf32>
        %convert_element_type3A_661 = arith.fptosi %mul3A_660 : vector<16xf32> to vector<16xi32>
        %min3A_662 = arith.constant 94 : i32
        %min3A_663 = vector.broadcast %min3A_662 : i32 to vector<16xi32>
        %min3A_664 = arith.minsi %convert_element_type3A_661, %min3A_663 : vector<16xi32>
        %convert_element_type3A_665 = arith.sitofp %min3A_664 : vector<16xi32> to vector<16xf32>
        %sub3A_666 = arith.subf %mul3A_660, %convert_element_type3A_665 : vector<16xf32>
        %mul3A_667 = arith.constant 96 : i32
        %mul3A_668 = vector.broadcast %mul3A_667 : i32 to vector<16xi32>
        %mul3A_669 = arith.muli %min3A_664, %mul3A_668 : vector<16xi32>
        %add3A_670 = arith.addi %mul3A_669, %min3A_643 : vector<16xi32>
        %mul3A_671 = arith.constant 96 : i32
        %mul3A_672 = vector.broadcast %mul3A_671 : i32 to vector<16xi32>
        %mul3A_673 = arith.muli %add3A_670, %mul3A_672 : vector<16xi32>
        %add3A_674 = arith.addi %mul3A_673, %min3A_622 : vector<16xi32>
        %abs3A_675 = math.absf %gather3A_595 : vector<16xf32>
        %lt3A_676 = arith.constant 1.500000e+00 : f32
        %lt3A_677 = vector.broadcast %lt3A_676 : f32 to vector<16xf32>
        %lt3A_678 = arith.cmpf olt, %abs3A_675, %lt3A_677 : vector<16xf32>
        %abs3A_679 = math.absf %gather3A_599 : vector<16xf32>
        %lt3A_680 = arith.constant 1.500000e+00 : f32
        %lt3A_681 = vector.broadcast %lt3A_680 : f32 to vector<16xf32>
        %lt3A_682 = arith.cmpf olt, %abs3A_679, %lt3A_681 : vector<16xf32>
        %and3A_683 = arith.andi %lt3A_678, %lt3A_682 : vector<16xi1>
        %abs3A_684 = math.absf %gather3A_603 : vector<16xf32>
        %lt3A_685 = arith.constant 1.500000e+00 : f32
        %lt3A_686 = vector.broadcast %lt3A_685 : f32 to vector<16xf32>
        %lt3A_687 = arith.cmpf olt, %abs3A_684, %lt3A_686 : vector<16xf32>
        %and3A_688 = arith.andi %and3A_683, %lt3A_687 : vector<16xi1>
        %jit3A_689 = arith.constant 1.000000e+00 : f32
        %jit3A_690 = arith.constant 0.000000e+00 : f32
        %broadcast_in_dim3A_691 = vector.broadcast %jit3A_689 : f32 to vector<16xf32>
        %broadcast_in_dim3A_692 = vector.broadcast %jit3A_690 : f32 to vector<16xf32>
        %select_n3A_693 = arith.select %and3A_688, %broadcast_in_dim3A_691, %broadcast_in_dim3A_692 : vector<16xi1>, vector<16xf32>
        %sub3A_694 = arith.constant 1.000000e+00 : f32
        %sub3A_695 = vector.broadcast %sub3A_694 : f32 to vector<16xf32>
        %sub3A_696 = arith.subf %sub3A_695, %sub3A_666 : vector<16xf32>
        %mul3A_697 = arith.mulf %sub3A_696, %select_n3A_693 : vector<16xf32>
        %mul3A_698 = arith.mulf %sub3A_666, %select_n3A_693 : vector<16xf32>
        %sub3A_699 = arith.constant 1.000000e+00 : f32
        %sub3A_700 = vector.broadcast %sub3A_699 : f32 to vector<16xf32>
        %sub3A_701 = arith.subf %sub3A_700, %sub3A_645 : vector<16xf32>
        %mul3A_702 = arith.mulf %sub3A_701, %mul3A_697 : vector<16xf32>
        %mul3A_703 = arith.mulf %sub3A_645, %mul3A_697 : vector<16xf32>
        %sub3A_704 = arith.constant 1.000000e+00 : f32
        %sub3A_705 = vector.broadcast %sub3A_704 : f32 to vector<16xf32>
        %sub3A_706 = arith.subf %sub3A_705, %sub3A_645 : vector<16xf32>
        %mul3A_707 = arith.mulf %sub3A_706, %mul3A_698 : vector<16xf32>
        %mul3A_708 = arith.mulf %sub3A_645, %mul3A_698 : vector<16xf32>
        %sub3A_709 = arith.constant 1.000000e+00 : f32
        %sub3A_710 = vector.broadcast %sub3A_709 : f32 to vector<16xf32>
        %sub3A_711 = arith.subf %sub3A_710, %sub3A_624 : vector<16xf32>
        %mul3A_712 = arith.mulf %sub3A_711, %mul3A_702 : vector<16xf32>
        %mul3A_713 = arith.mulf %sub3A_624, %mul3A_702 : vector<16xf32>
        %mul3A_714 = arith.mulf %sub3A_711, %mul3A_703 : vector<16xf32>
        %mul3A_715 = arith.mulf %sub3A_624, %mul3A_703 : vector<16xf32>
        %mul3A_716 = arith.mulf %sub3A_711, %mul3A_707 : vector<16xf32>
        %mul3A_717 = arith.mulf %sub3A_624, %mul3A_707 : vector<16xf32>
        %mul3A_718 = arith.mulf %sub3A_711, %mul3A_708 : vector<16xf32>
        %mul3A_719 = arith.mulf %sub3A_624, %mul3A_708 : vector<16xf32>
        %add3A_720 = arith.constant 0 : i32
        %add3A_721 = vector.broadcast %add3A_720 : i32 to vector<16xi32>
        %add3A_722 = arith.addi %add3A_674, %add3A_721 : vector<16xi32>
        %swap3A_723 = arith.constant 0 : index
        %swap3A_724 = tpu.vector_load %arg8[%swap3A_723] {strides = array<i32>} : memref<128xi32, #tpu.memory_space<vmem>>, vector<16xi32>,
        tpu.vector_store %arg8[%swap3A_723], %add3A_722 {strides = array<i32>} : memref<128xi32, #tpu.memory_space<vmem>>, vector<16xi32>,
        %add3A_725 = arith.constant 1 : i32
        %add3A_726 = vector.broadcast %add3A_725 : i32 to vector<16xi32>
        %add3A_727 = arith.addi %add3A_674, %add3A_726 : vector<16xi32>
        %swap3A_728 = arith.constant 16 : index
        %swap3A_729 = tpu.vector_load %arg8[%swap3A_728] {strides = array<i32>} : memref<128xi32, #tpu.memory_space<vmem>>, vector<16xi32>,
        tpu.vector_store %arg8[%swap3A_728], %add3A_727 {strides = array<i32>} : memref<128xi32, #tpu.memory_space<vmem>>, vector<16xi32>,
        %add3A_730 = arith.constant 96 : i32
        %add3A_731 = vector.broadcast %add3A_730 : i32 to vector<16xi32>
        %add3A_732 = arith.addi %add3A_674, %add3A_731 : vector<16xi32>
        %swap3A_733 = arith.constant 32 : index
        %swap3A_734 = tpu.vector_load %arg8[%swap3A_733] {strides = array<i32>} : memref<128xi32, #tpu.memory_space<vmem>>, vector<16xi32>,
        tpu.vector_store %arg8[%swap3A_733], %add3A_732 {strides = array<i32>} : memref<128xi32, #tpu.memory_space<vmem>>, vector<16xi32>,
        %add3A_735 = arith.constant 97 : i32
        %add3A_736 = vector.broadcast %add3A_735 : i32 to vector<16xi32>
        %add3A_737 = arith.addi %add3A_674, %add3A_736 : vector<16xi32>
        %swap3A_738 = arith.constant 48 : index
        %swap3A_739 = tpu.vector_load %arg8[%swap3A_738] {strides = array<i32>} : memref<128xi32, #tpu.memory_space<vmem>>, vector<16xi32>,
        tpu.vector_store %arg8[%swap3A_738], %add3A_737 {strides = array<i32>} : memref<128xi32, #tpu.memory_space<vmem>>, vector<16xi32>,
        %add3A_740 = arith.constant 9216 : i32
        %add3A_741 = vector.broadcast %add3A_740 : i32 to vector<16xi32>
        %add3A_742 = arith.addi %add3A_674, %add3A_741 : vector<16xi32>
        %swap3A_743 = arith.constant 64 : index
        %swap3A_744 = tpu.vector_load %arg8[%swap3A_743] {strides = array<i32>} : memref<128xi32, #tpu.memory_space<vmem>>, vector<16xi32>,
        tpu.vector_store %arg8[%swap3A_743], %add3A_742 {strides = array<i32>} : memref<128xi32, #tpu.memory_space<vmem>>, vector<16xi32>,
        %add3A_745 = arith.constant 9217 : i32
        %add3A_746 = vector.broadcast %add3A_745 : i32 to vector<16xi32>
        %add3A_747 = arith.addi %add3A_674, %add3A_746 : vector<16xi32>
        %swap3A_748 = arith.constant 80 : index
        %swap3A_749 = tpu.vector_load %arg8[%swap3A_748] {strides = array<i32>} : memref<128xi32, #tpu.memory_space<vmem>>, vector<16xi32>,
        tpu.vector_store %arg8[%swap3A_748], %add3A_747 {strides = array<i32>} : memref<128xi32, #tpu.memory_space<vmem>>, vector<16xi32>,
        %add3A_750 = arith.constant 9312 : i32
        %add3A_751 = vector.broadcast %add3A_750 : i32 to vector<16xi32>
        %add3A_752 = arith.addi %add3A_674, %add3A_751 : vector<16xi32>
        %swap3A_753 = arith.constant 96 : index
        %swap3A_754 = tpu.vector_load %arg8[%swap3A_753] {strides = array<i32>} : memref<128xi32, #tpu.memory_space<vmem>>, vector<16xi32>,
        tpu.vector_store %arg8[%swap3A_753], %add3A_752 {strides = array<i32>} : memref<128xi32, #tpu.memory_space<vmem>>, vector<16xi32>,
        %add3A_755 = arith.constant 9313 : i32
        %add3A_756 = vector.broadcast %add3A_755 : i32 to vector<16xi32>
        %add3A_757 = arith.addi %add3A_674, %add3A_756 : vector<16xi32>
        %swap3A_758 = arith.constant 112 : index
        %swap3A_759 = tpu.vector_load %arg8[%swap3A_758] {strides = array<i32>} : memref<128xi32, #tpu.memory_space<vmem>>, vector<16xi32>,
        tpu.vector_store %arg8[%swap3A_758], %add3A_757 {strides = array<i32>} : memref<128xi32, #tpu.memory_space<vmem>>, vector<16xi32>,
        %dma_start3A_760 = arith.constant 0 : i32
        %dma_start3A_761 = arith.constant 0 : i32
        %dma_start3A_762 = tpu.memref_slice %arg3[%dma_start3A_760, %dma_start3A_761] : memref<884736x128xf32, #tpu.memory_space<hbm>> -> memref<884736x128xf32, #tpu.memory_space<hbm>>
        tpu.enqueue_indirect_dma source(%dma_start3A_762 : memref<884736x128xf32, #tpu.memory_space<hbm>>) target(%arg10 : memref<128x128xf32, #tpu.memory_space<vmem>>) offsets(%arg8 : memref<128xi32, #tpu.memory_space<vmem>>) semaphore(%arg16 : memref<!tpu.dma_semaphore, #tpu.memory_space<semaphore_mem>>)
        %dma_start3A_763 = arith.constant 0 : i32
        %dma_start3A_764 = tpu.memref_slice %arg4[%dma_start3A_763] : memref<884736xf32, #tpu.memory_space<hbm>> -> memref<884736xf32, #tpu.memory_space<hbm>>
        tpu.enqueue_indirect_dma source(%dma_start3A_764 : memref<884736xf32, #tpu.memory_space<hbm>>) target(%arg12 : memref<128xf32, #tpu.memory_space<vmem>>) offsets(%arg8 : memref<128xi32, #tpu.memory_space<vmem>>) semaphore(%arg18 : memref<!tpu.dma_semaphore, #tpu.memory_space<semaphore_mem>>)
      } else {
      }
      %mul3A_218 = arith.constant 48 : i32
      %mul3A_219 = arith.muli %add3A_211, %mul3A_218 : i32
      %mul3A_220 = arith.constant 3 : i32
      %mul3A_221 = vector.broadcast %mul3A_220 : i32 to vector<16xi32>
      %mul3A_222 = arith.muli %iota3A, %mul3A_221 : vector<16xi32>
      %add3A_223 = vector.broadcast %mul3A_219 : i32 to vector<16xi32>
      %add3A_224 = arith.addi %add3A_223, %mul3A_222 : vector<16xi32>
      %gather3A_225 = tpu.vector_load_idx %arg6[%add3A_224] : memref<12288xf32, #tpu.memory_space<vmem>>[vector<16xi32>], vector<16xf32>,
      %add3A_226 = arith.constant 1 : i32
      %add3A_227 = vector.broadcast %add3A_226 : i32 to vector<16xi32>
      %add3A_228 = arith.addi %add3A_224, %add3A_227 : vector<16xi32>
      %gather3A_229 = tpu.vector_load_idx %arg6[%add3A_228] : memref<12288xf32, #tpu.memory_space<vmem>>[vector<16xi32>], vector<16xf32>,
      %add3A_230 = arith.constant 2 : i32
      %add3A_231 = vector.broadcast %add3A_230 : i32 to vector<16xi32>
      %add3A_232 = arith.addi %add3A_224, %add3A_231 : vector<16xi32>
      %gather3A_233 = tpu.vector_load_idx %arg6[%add3A_232] : memref<12288xf32, #tpu.memory_space<vmem>>[vector<16xi32>], vector<16xf32>,
      %div3A_234 = arith.constant 1.500000e+00 : f32
      %div3A_235 = vector.broadcast %div3A_234 : f32 to vector<16xf32>
      %div3A_236 = arith.divf %gather3A_225, %div3A_235 : vector<16xf32>
      %jit3A_237 = arith.constant -1.000000e+00 : f32
      %jit3A_238 = arith.constant 1.000000e+00 : f32
      %max3A_239 = vector.broadcast %jit3A_237 : f32 to vector<16xf32>
      %max3A_240 = arith.maximumf %max3A_239, %div3A_236 : vector<16xf32>
      %min3A_241 = vector.broadcast %jit3A_238 : f32 to vector<16xf32>
      %min3A_242 = arith.minimumf %min3A_241, %max3A_240 : vector<16xf32>
      %add3A_243 = arith.constant 1.000000e+00 : f32
      %add3A_244 = vector.broadcast %add3A_243 : f32 to vector<16xf32>
      %add3A_245 = arith.addf %min3A_242, %add3A_244 : vector<16xf32>
      %mul3A_246 = arith.constant 4.750000e+01 : f32
      %mul3A_247 = vector.broadcast %mul3A_246 : f32 to vector<16xf32>
      %mul3A_248 = arith.mulf %add3A_245, %mul3A_247 : vector<16xf32>
      %convert_element_type3A_249 = arith.fptosi %mul3A_248 : vector<16xf32> to vector<16xi32>
      %min3A_250 = arith.constant 94 : i32
      %min3A_251 = vector.broadcast %min3A_250 : i32 to vector<16xi32>
      %min3A_252 = arith.minsi %convert_element_type3A_249, %min3A_251 : vector<16xi32>
      %convert_element_type3A_253 = arith.sitofp %min3A_252 : vector<16xi32> to vector<16xf32>
      %sub3A_254 = arith.subf %mul3A_248, %convert_element_type3A_253 : vector<16xf32>
      %div3A_255 = arith.constant 1.500000e+00 : f32
      %div3A_256 = vector.broadcast %div3A_255 : f32 to vector<16xf32>
      %div3A_257 = arith.divf %gather3A_229, %div3A_256 : vector<16xf32>
      %jit3A_258 = arith.constant -1.000000e+00 : f32
      %jit3A_259 = arith.constant 1.000000e+00 : f32
      %max3A_260 = vector.broadcast %jit3A_258 : f32 to vector<16xf32>
      %max3A_261 = arith.maximumf %max3A_260, %div3A_257 : vector<16xf32>
      %min3A_262 = vector.broadcast %jit3A_259 : f32 to vector<16xf32>
      %min3A_263 = arith.minimumf %min3A_262, %max3A_261 : vector<16xf32>
      %add3A_264 = arith.constant 1.000000e+00 : f32
      %add3A_265 = vector.broadcast %add3A_264 : f32 to vector<16xf32>
      %add3A_266 = arith.addf %min3A_263, %add3A_265 : vector<16xf32>
      %mul3A_267 = arith.constant 4.750000e+01 : f32
      %mul3A_268 = vector.broadcast %mul3A_267 : f32 to vector<16xf32>
      %mul3A_269 = arith.mulf %add3A_266, %mul3A_268 : vector<16xf32>
      %convert_element_type3A_270 = arith.fptosi %mul3A_269 : vector<16xf32> to vector<16xi32>
      %min3A_271 = arith.constant 94 : i32
      %min3A_272 = vector.broadcast %min3A_271 : i32 to vector<16xi32>
      %min3A_273 = arith.minsi %convert_element_type3A_270, %min3A_272 : vector<16xi32>
      %convert_element_type3A_274 = arith.sitofp %min3A_273 : vector<16xi32> to vector<16xf32>
      %sub3A_275 = arith.subf %mul3A_269, %convert_element_type3A_274 : vector<16xf32>
      %div3A_276 = arith.constant 1.500000e+00 : f32
      %div3A_277 = vector.broadcast %div3A_276 : f32 to vector<16xf32>
      %div3A_278 = arith.divf %gather3A_233, %div3A_277 : vector<16xf32>
      %jit3A_279 = arith.constant -1.000000e+00 : f32
      %jit3A_280 = arith.constant 1.000000e+00 : f32
      %max3A_281 = vector.broadcast %jit3A_279 : f32 to vector<16xf32>
      %max3A_282 = arith.maximumf %max3A_281, %div3A_278 : vector<16xf32>
      %min3A_283 = vector.broadcast %jit3A_280 : f32 to vector<16xf32>
      %min3A_284 = arith.minimumf %min3A_283, %max3A_282 : vector<16xf32>
      %add3A_285 = arith.constant 1.000000e+00 : f32
      %add3A_286 = vector.broadcast %add3A_285 : f32 to vector<16xf32>
      %add3A_287 = arith.addf %min3A_284, %add3A_286 : vector<16xf32>
      %mul3A_288 = arith.constant 4.750000e+01 : f32
      %mul3A_289 = vector.broadcast %mul3A_288 : f32 to vector<16xf32>
      %mul3A_290 = arith.mulf %add3A_287, %mul3A_289 : vector<16xf32>
      %convert_element_type3A_291 = arith.fptosi %mul3A_290 : vector<16xf32> to vector<16xi32>
      %min3A_292 = arith.constant 94 : i32
      %min3A_293 = vector.broadcast %min3A_292 : i32 to vector<16xi32>
      %min3A_294 = arith.minsi %convert_element_type3A_291, %min3A_293 : vector<16xi32>
      %convert_element_type3A_295 = arith.sitofp %min3A_294 : vector<16xi32> to vector<16xf32>
      %sub3A_296 = arith.subf %mul3A_290, %convert_element_type3A_295 : vector<16xf32>
      %mul3A_297 = arith.constant 96 : i32
      %mul3A_298 = vector.broadcast %mul3A_297 : i32 to vector<16xi32>
      %mul3A_299 = arith.muli %min3A_294, %mul3A_298 : vector<16xi32>
      %add3A_300 = arith.addi %mul3A_299, %min3A_273 : vector<16xi32>
      %mul3A_301 = arith.constant 96 : i32
      %mul3A_302 = vector.broadcast %mul3A_301 : i32 to vector<16xi32>
      %mul3A_303 = arith.muli %add3A_300, %mul3A_302 : vector<16xi32>
      %add3A_304 = arith.addi %mul3A_303, %min3A_252 : vector<16xi32>
      %abs3A_305 = math.absf %gather3A_225 : vector<16xf32>
      %lt3A_306 = arith.constant 1.500000e+00 : f32
      %lt3A_307 = vector.broadcast %lt3A_306 : f32 to vector<16xf32>
      %lt3A_308 = arith.cmpf olt, %abs3A_305, %lt3A_307 : vector<16xf32>
      %abs3A_309 = math.absf %gather3A_229 : vector<16xf32>
      %lt3A_310 = arith.constant 1.500000e+00 : f32
      %lt3A_311 = vector.broadcast %lt3A_310 : f32 to vector<16xf32>
      %lt3A_312 = arith.cmpf olt, %abs3A_309, %lt3A_311 : vector<16xf32>
      %and3A_313 = arith.andi %lt3A_308, %lt3A_312 : vector<16xi1>
      %abs3A_314 = math.absf %gather3A_233 : vector<16xf32>
      %lt3A_315 = arith.constant 1.500000e+00 : f32
      %lt3A_316 = vector.broadcast %lt3A_315 : f32 to vector<16xf32>
      %lt3A_317 = arith.cmpf olt, %abs3A_314, %lt3A_316 : vector<16xf32>
      %and3A_318 = arith.andi %and3A_313, %lt3A_317 : vector<16xi1>
      %jit3A_319 = arith.constant 1.000000e+00 : f32
      %jit3A_320 = arith.constant 0.000000e+00 : f32
      %broadcast_in_dim3A_321 = vector.broadcast %jit3A_319 : f32 to vector<16xf32>
      %broadcast_in_dim3A_322 = vector.broadcast %jit3A_320 : f32 to vector<16xf32>
      %select_n3A_323 = arith.select %and3A_318, %broadcast_in_dim3A_321, %broadcast_in_dim3A_322 : vector<16xi1>, vector<16xf32>
      %sub3A_324 = arith.constant 1.000000e+00 : f32
      %sub3A_325 = vector.broadcast %sub3A_324 : f32 to vector<16xf32>
      %sub3A_326 = arith.subf %sub3A_325, %sub3A_296 : vector<16xf32>
      %mul3A_327 = arith.mulf %sub3A_326, %select_n3A_323 : vector<16xf32>
      %mul3A_328 = arith.mulf %sub3A_296, %select_n3A_323 : vector<16xf32>
      %sub3A_329 = arith.constant 1.000000e+00 : f32
      %sub3A_330 = vector.broadcast %sub3A_329 : f32 to vector<16xf32>
      %sub3A_331 = arith.subf %sub3A_330, %sub3A_275 : vector<16xf32>
      %mul3A_332 = arith.mulf %sub3A_331, %mul3A_327 : vector<16xf32>
      %mul3A_333 = arith.mulf %sub3A_275, %mul3A_327 : vector<16xf32>
      %sub3A_334 = arith.constant 1.000000e+00 : f32
      %sub3A_335 = vector.broadcast %sub3A_334 : f32 to vector<16xf32>
      %sub3A_336 = arith.subf %sub3A_335, %sub3A_275 : vector<16xf32>
      %mul3A_337 = arith.mulf %sub3A_336, %mul3A_328 : vector<16xf32>
      %mul3A_338 = arith.mulf %sub3A_275, %mul3A_328 : vector<16xf32>
      %sub3A_339 = arith.constant 1.000000e+00 : f32
      %sub3A_340 = vector.broadcast %sub3A_339 : f32 to vector<16xf32>
      %sub3A_341 = arith.subf %sub3A_340, %sub3A_254 : vector<16xf32>
      %mul3A_342 = arith.mulf %sub3A_341, %mul3A_332 : vector<16xf32>
      %mul3A_343 = arith.mulf %sub3A_254, %mul3A_332 : vector<16xf32>
      %mul3A_344 = arith.mulf %sub3A_341, %mul3A_333 : vector<16xf32>
      %mul3A_345 = arith.mulf %sub3A_254, %mul3A_333 : vector<16xf32>
      %mul3A_346 = arith.mulf %sub3A_341, %mul3A_337 : vector<16xf32>
      %mul3A_347 = arith.mulf %sub3A_254, %mul3A_337 : vector<16xf32>
      %mul3A_348 = arith.mulf %sub3A_341, %mul3A_338 : vector<16xf32>
      %mul3A_349 = arith.mulf %sub3A_254, %mul3A_338 : vector<16xf32>
      %dma_wait3A_350 = arith.constant 0 : i32
      %dma_wait3A_351 = arith.constant 0 : i32
      %dma_wait3A_352 = tpu.memref_slice %arg3[%dma_wait3A_350, %dma_wait3A_351] : memref<884736x128xf32, #tpu.memory_space<hbm>> -> memref<884736x128xf32, #tpu.memory_space<hbm>>
      tpu.wait_indirect_dma semaphore(%arg15 : memref<!tpu.dma_semaphore, #tpu.memory_space<semaphore_mem>>) src(%dma_wait3A_352 : memref<884736x128xf32, #tpu.memory_space<hbm>>) dst(%arg9 : memref<128x128xf32, #tpu.memory_space<vmem>>)
      %dma_wait3A_353 = arith.constant 0 : i32
      %dma_wait3A_354 = tpu.memref_slice %arg4[%dma_wait3A_353] : memref<884736xf32, #tpu.memory_space<hbm>> -> memref<884736xf32, #tpu.memory_space<hbm>>
      tpu.wait_indirect_dma semaphore(%arg17 : memref<!tpu.dma_semaphore, #tpu.memory_space<semaphore_mem>>) src(%dma_wait3A_354 : memref<884736xf32, #tpu.memory_space<hbm>>) dst(%arg11 : memref<128xf32, #tpu.memory_space<vmem>>)
      %ge3A = arith.constant 2 : i32
      %ge3A_355 = arith.cmpi sge, %add3A_211, %ge3A : i32
      %convert_element_type3A_356 = arith.extui %ge3A_355 : i1 to i32
      %cond3A_357 = arith.constant 0 : i32
      %cond3A_358 = arith.cmpi ne, %convert_element_type3A_356, %cond3A_357 : i32
      scf.if %cond3A_358 {
        %dma_wait3A_586 = arith.constant 0 : i32
        %dma_wait3A_587 = tpu.memref_slice %arg5[%dma_wait3A_586] : memref<16908288xf32, #tpu.memory_space<hbm>> -> memref<2064xf32, #tpu.memory_space<hbm>>
        %dma_wait3A_588 = arith.constant 0 : i32
        %dma_wait3A_589 = tpu.memref_slice %arg5[%dma_wait3A_588] : memref<16908288xf32, #tpu.memory_space<hbm>> -> memref<2064xf32, #tpu.memory_space<hbm>>
        tpu.wait_dma2 semaphore(%arg19 : memref<!tpu.dma_semaphore, #tpu.memory_space<semaphore_mem>>) src(%arg13 : memref<2064xf32, #tpu.memory_space<vmem>>) dst(%dma_wait3A_589 : memref<2064xf32, #tpu.memory_space<hbm>>)
      } else {
      }
      %scan3A_359 = arith.constant 0 : i32
      %scan3A_360 = arith.constant 128 : i32
      %scan3A_361 = arith.addi %scan3A_359, %scan3A_360 : i32
      %scan3A_362 = arith.constant 4 : i32
      scf.for %scan3A_586 = %scan3A_359 to %scan3A_361 step %scan3A_362  : i32 {
        %mul3A_587 = arith.constant 1 : i32
        %mul3A_588 = arith.muli %scan3A_586, %mul3A_587 : i32
        %add3A_589 = arith.constant 0 : i32
        %add3A_590 = arith.addi %add3A_589, %mul3A_588 : i32
        %broadcast_in_dim3A_591 = vector.broadcast %add3A_590 : i32 to vector<16xi32>
        %gather3A_592 = tpu.vector_load_idx %arg9[%add3A_7, %broadcast_in_dim3A_591] : memref<128x128xf32, #tpu.memory_space<vmem>>[vector<16xi32>, vector<16xi32>], vector<16xf32>,
        %mul3A_593 = arith.mulf %mul3A_342, %gather3A_592 : vector<16xf32>
        %gather3A_594 = tpu.vector_load_idx %arg9[%add3A_10, %broadcast_in_dim3A_591] : memref<128x128xf32, #tpu.memory_space<vmem>>[vector<16xi32>, vector<16xi32>], vector<16xf32>,
        %mul3A_595 = arith.mulf %mul3A_343, %gather3A_594 : vector<16xf32>
        %add3A_596 = arith.addf %mul3A_593, %mul3A_595 : vector<16xf32>
        %gather3A_597 = tpu.vector_load_idx %arg9[%add3A_13, %broadcast_in_dim3A_591] : memref<128x128xf32, #tpu.memory_space<vmem>>[vector<16xi32>, vector<16xi32>], vector<16xf32>,
        %mul3A_598 = arith.mulf %mul3A_344, %gather3A_597 : vector<16xf32>
        %add3A_599 = arith.addf %add3A_596, %mul3A_598 : vector<16xf32>
        %gather3A_600 = tpu.vector_load_idx %arg9[%add3A_16, %broadcast_in_dim3A_591] : memref<128x128xf32, #tpu.memory_space<vmem>>[vector<16xi32>, vector<16xi32>], vector<16xf32>,
        %mul3A_601 = arith.mulf %mul3A_345, %gather3A_600 : vector<16xf32>
        %add3A_602 = arith.addf %add3A_599, %mul3A_601 : vector<16xf32>
        %gather3A_603 = tpu.vector_load_idx %arg9[%add3A_19, %broadcast_in_dim3A_591] : memref<128x128xf32, #tpu.memory_space<vmem>>[vector<16xi32>, vector<16xi32>], vector<16xf32>,
        %mul3A_604 = arith.mulf %mul3A_346, %gather3A_603 : vector<16xf32>
        %add3A_605 = arith.addf %add3A_602, %mul3A_604 : vector<16xf32>
        %gather3A_606 = tpu.vector_load_idx %arg9[%add3A_22, %broadcast_in_dim3A_591] : memref<128x128xf32, #tpu.memory_space<vmem>>[vector<16xi32>, vector<16xi32>], vector<16xf32>,
        %mul3A_607 = arith.mulf %mul3A_347, %gather3A_606 : vector<16xf32>
        %add3A_608 = arith.addf %add3A_605, %mul3A_607 : vector<16xf32>
        %gather3A_609 = tpu.vector_load_idx %arg9[%add3A_25, %broadcast_in_dim3A_591] : memref<128x128xf32, #tpu.memory_space<vmem>>[vector<16xi32>, vector<16xi32>], vector<16xf32>,
        %mul3A_610 = arith.mulf %mul3A_348, %gather3A_609 : vector<16xf32>
        %add3A_611 = arith.addf %add3A_608, %mul3A_610 : vector<16xf32>
        %gather3A_612 = tpu.vector_load_idx %arg9[%add3A_28, %broadcast_in_dim3A_591] : memref<128x128xf32, #tpu.memory_space<vmem>>[vector<16xi32>, vector<16xi32>], vector<16xf32>,
        %mul3A_613 = arith.mulf %mul3A_349, %gather3A_612 : vector<16xf32>
        %add3A_614 = arith.addf %add3A_611, %mul3A_613 : vector<16xf32>
        %add3A_615 = arith.addi %mul3A_31, %broadcast_in_dim3A_591 : vector<16xi32>
        tpu.vector_store_idx %arg13[%add3A_615], %add3A_614 : memref<2064xf32, #tpu.memory_space<vmem>>[vector<16xi32>], vector<16xf32>,
        %scan3A_616 = arith.constant 1 : i32
        %scan3A_617 = arith.addi %scan3A_586, %scan3A_616 : i32
        %mul3A_618 = arith.constant 1 : i32
        %mul3A_619 = arith.muli %scan3A_617, %mul3A_618 : i32
        %add3A_620 = arith.constant 0 : i32
        %add3A_621 = arith.addi %add3A_620, %mul3A_619 : i32
        %broadcast_in_dim3A_622 = vector.broadcast %add3A_621 : i32 to vector<16xi32>
        %gather3A_623 = tpu.vector_load_idx %arg9[%add3A_7, %broadcast_in_dim3A_622] : memref<128x128xf32, #tpu.memory_space<vmem>>[vector<16xi32>, vector<16xi32>], vector<16xf32>,
        %mul3A_624 = arith.mulf %mul3A_342, %gather3A_623 : vector<16xf32>
        %gather3A_625 = tpu.vector_load_idx %arg9[%add3A_10, %broadcast_in_dim3A_622] : memref<128x128xf32, #tpu.memory_space<vmem>>[vector<16xi32>, vector<16xi32>], vector<16xf32>,
        %mul3A_626 = arith.mulf %mul3A_343, %gather3A_625 : vector<16xf32>
        %add3A_627 = arith.addf %mul3A_624, %mul3A_626 : vector<16xf32>
        %gather3A_628 = tpu.vector_load_idx %arg9[%add3A_13, %broadcast_in_dim3A_622] : memref<128x128xf32, #tpu.memory_space<vmem>>[vector<16xi32>, vector<16xi32>], vector<16xf32>,
        %mul3A_629 = arith.mulf %mul3A_344, %gather3A_628 : vector<16xf32>
        %add3A_630 = arith.addf %add3A_627, %mul3A_629 : vector<16xf32>
        %gather3A_631 = tpu.vector_load_idx %arg9[%add3A_16, %broadcast_in_dim3A_622] : memref<128x128xf32, #tpu.memory_space<vmem>>[vector<16xi32>, vector<16xi32>], vector<16xf32>,
        %mul3A_632 = arith.mulf %mul3A_345, %gather3A_631 : vector<16xf32>
        %add3A_633 = arith.addf %add3A_630, %mul3A_632 : vector<16xf32>
        %gather3A_634 = tpu.vector_load_idx %arg9[%add3A_19, %broadcast_in_dim3A_622] : memref<128x128xf32, #tpu.memory_space<vmem>>[vector<16xi32>, vector<16xi32>], vector<16xf32>,
        %mul3A_635 = arith.mulf %mul3A_346, %gather3A_634 : vector<16xf32>
        %add3A_636 = arith.addf %add3A_633, %mul3A_635 : vector<16xf32>
        %gather3A_637 = tpu.vector_load_idx %arg9[%add3A_22, %broadcast_in_dim3A_622] : memref<128x128xf32, #tpu.memory_space<vmem>>[vector<16xi32>, vector<16xi32>], vector<16xf32>,
        %mul3A_638 = arith.mulf %mul3A_347, %gather3A_637 : vector<16xf32>
        %add3A_639 = arith.addf %add3A_636, %mul3A_638 : vector<16xf32>
        %gather3A_640 = tpu.vector_load_idx %arg9[%add3A_25, %broadcast_in_dim3A_622] : memref<128x128xf32, #tpu.memory_space<vmem>>[vector<16xi32>, vector<16xi32>], vector<16xf32>,
        %mul3A_641 = arith.mulf %mul3A_348, %gather3A_640 : vector<16xf32>
        %add3A_642 = arith.addf %add3A_639, %mul3A_641 : vector<16xf32>
        %gather3A_643 = tpu.vector_load_idx %arg9[%add3A_28, %broadcast_in_dim3A_622] : memref<128x128xf32, #tpu.memory_space<vmem>>[vector<16xi32>, vector<16xi32>], vector<16xf32>,
        %mul3A_644 = arith.mulf %mul3A_349, %gather3A_643 : vector<16xf32>
        %add3A_645 = arith.addf %add3A_642, %mul3A_644 : vector<16xf32>
        %add3A_646 = arith.addi %mul3A_31, %broadcast_in_dim3A_622 : vector<16xi32>
        tpu.vector_store_idx %arg13[%add3A_646], %add3A_645 : memref<2064xf32, #tpu.memory_space<vmem>>[vector<16xi32>], vector<16xf32>,
        %scan3A_647 = arith.constant 2 : i32
        %scan3A_648 = arith.addi %scan3A_586, %scan3A_647 : i32
        %mul3A_649 = arith.constant 1 : i32
        %mul3A_650 = arith.muli %scan3A_648, %mul3A_649 : i32
        %add3A_651 = arith.constant 0 : i32
        %add3A_652 = arith.addi %add3A_651, %mul3A_650 : i32
        %broadcast_in_dim3A_653 = vector.broadcast %add3A_652 : i32 to vector<16xi32>
        %gather3A_654 = tpu.vector_load_idx %arg9[%add3A_7, %broadcast_in_dim3A_653] : memref<128x128xf32, #tpu.memory_space<vmem>>[vector<16xi32>, vector<16xi32>], vector<16xf32>,
        %mul3A_655 = arith.mulf %mul3A_342, %gather3A_654 : vector<16xf32>
        %gather3A_656 = tpu.vector_load_idx %arg9[%add3A_10, %broadcast_in_dim3A_653] : memref<128x128xf32, #tpu.memory_space<vmem>>[vector<16xi32>, vector<16xi32>], vector<16xf32>,
        %mul3A_657 = arith.mulf %mul3A_343, %gather3A_656 : vector<16xf32>
        %add3A_658 = arith.addf %mul3A_655, %mul3A_657 : vector<16xf32>
        %gather3A_659 = tpu.vector_load_idx %arg9[%add3A_13, %broadcast_in_dim3A_653] : memref<128x128xf32, #tpu.memory_space<vmem>>[vector<16xi32>, vector<16xi32>], vector<16xf32>,
        %mul3A_660 = arith.mulf %mul3A_344, %gather3A_659 : vector<16xf32>
        %add3A_661 = arith.addf %add3A_658, %mul3A_660 : vector<16xf32>
        %gather3A_662 = tpu.vector_load_idx %arg9[%add3A_16, %broadcast_in_dim3A_653] : memref<128x128xf32, #tpu.memory_space<vmem>>[vector<16xi32>, vector<16xi32>], vector<16xf32>,
        %mul3A_663 = arith.mulf %mul3A_345, %gather3A_662 : vector<16xf32>
        %add3A_664 = arith.addf %add3A_661, %mul3A_663 : vector<16xf32>
        %gather3A_665 = tpu.vector_load_idx %arg9[%add3A_19, %broadcast_in_dim3A_653] : memref<128x128xf32, #tpu.memory_space<vmem>>[vector<16xi32>, vector<16xi32>], vector<16xf32>,
        %mul3A_666 = arith.mulf %mul3A_346, %gather3A_665 : vector<16xf32>
        %add3A_667 = arith.addf %add3A_664, %mul3A_666 : vector<16xf32>
        %gather3A_668 = tpu.vector_load_idx %arg9[%add3A_22, %broadcast_in_dim3A_653] : memref<128x128xf32, #tpu.memory_space<vmem>>[vector<16xi32>, vector<16xi32>], vector<16xf32>,
        %mul3A_669 = arith.mulf %mul3A_347, %gather3A_668 : vector<16xf32>
        %add3A_670 = arith.addf %add3A_667, %mul3A_669 : vector<16xf32>
        %gather3A_671 = tpu.vector_load_idx %arg9[%add3A_25, %broadcast_in_dim3A_653] : memref<128x128xf32, #tpu.memory_space<vmem>>[vector<16xi32>, vector<16xi32>], vector<16xf32>,
        %mul3A_672 = arith.mulf %mul3A_348, %gather3A_671 : vector<16xf32>
        %add3A_673 = arith.addf %add3A_670, %mul3A_672 : vector<16xf32>
        %gather3A_674 = tpu.vector_load_idx %arg9[%add3A_28, %broadcast_in_dim3A_653] : memref<128x128xf32, #tpu.memory_space<vmem>>[vector<16xi32>, vector<16xi32>], vector<16xf32>,
        %mul3A_675 = arith.mulf %mul3A_349, %gather3A_674 : vector<16xf32>
        %add3A_676 = arith.addf %add3A_673, %mul3A_675 : vector<16xf32>
        %add3A_677 = arith.addi %mul3A_31, %broadcast_in_dim3A_653 : vector<16xi32>
        tpu.vector_store_idx %arg13[%add3A_677], %add3A_676 : memref<2064xf32, #tpu.memory_space<vmem>>[vector<16xi32>], vector<16xf32>,
        %scan3A_678 = arith.constant 3 : i32
        %scan3A_679 = arith.addi %scan3A_586, %scan3A_678 : i32
        %mul3A_680 = arith.constant 1 : i32
        %mul3A_681 = arith.muli %scan3A_679, %mul3A_680 : i32
        %add3A_682 = arith.constant 0 : i32
        %add3A_683 = arith.addi %add3A_682, %mul3A_681 : i32
        %broadcast_in_dim3A_684 = vector.broadcast %add3A_683 : i32 to vector<16xi32>
        %gather3A_685 = tpu.vector_load_idx %arg9[%add3A_7, %broadcast_in_dim3A_684] : memref<128x128xf32, #tpu.memory_space<vmem>>[vector<16xi32>, vector<16xi32>], vector<16xf32>,
        %mul3A_686 = arith.mulf %mul3A_342, %gather3A_685 : vector<16xf32>
        %gather3A_687 = tpu.vector_load_idx %arg9[%add3A_10, %broadcast_in_dim3A_684] : memref<128x128xf32, #tpu.memory_space<vmem>>[vector<16xi32>, vector<16xi32>], vector<16xf32>,
        %mul3A_688 = arith.mulf %mul3A_343, %gather3A_687 : vector<16xf32>
        %add3A_689 = arith.addf %mul3A_686, %mul3A_688 : vector<16xf32>
        %gather3A_690 = tpu.vector_load_idx %arg9[%add3A_13, %broadcast_in_dim3A_684] : memref<128x128xf32, #tpu.memory_space<vmem>>[vector<16xi32>, vector<16xi32>], vector<16xf32>,
        %mul3A_691 = arith.mulf %mul3A_344, %gather3A_690 : vector<16xf32>
        %add3A_692 = arith.addf %add3A_689, %mul3A_691 : vector<16xf32>
        %gather3A_693 = tpu.vector_load_idx %arg9[%add3A_16, %broadcast_in_dim3A_684] : memref<128x128xf32, #tpu.memory_space<vmem>>[vector<16xi32>, vector<16xi32>], vector<16xf32>,
        %mul3A_694 = arith.mulf %mul3A_345, %gather3A_693 : vector<16xf32>
        %add3A_695 = arith.addf %add3A_692, %mul3A_694 : vector<16xf32>
        %gather3A_696 = tpu.vector_load_idx %arg9[%add3A_19, %broadcast_in_dim3A_684] : memref<128x128xf32, #tpu.memory_space<vmem>>[vector<16xi32>, vector<16xi32>], vector<16xf32>,
        %mul3A_697 = arith.mulf %mul3A_346, %gather3A_696 : vector<16xf32>
        %add3A_698 = arith.addf %add3A_695, %mul3A_697 : vector<16xf32>
        %gather3A_699 = tpu.vector_load_idx %arg9[%add3A_22, %broadcast_in_dim3A_684] : memref<128x128xf32, #tpu.memory_space<vmem>>[vector<16xi32>, vector<16xi32>], vector<16xf32>,
        %mul3A_700 = arith.mulf %mul3A_347, %gather3A_699 : vector<16xf32>
        %add3A_701 = arith.addf %add3A_698, %mul3A_700 : vector<16xf32>
        %gather3A_702 = tpu.vector_load_idx %arg9[%add3A_25, %broadcast_in_dim3A_684] : memref<128x128xf32, #tpu.memory_space<vmem>>[vector<16xi32>, vector<16xi32>], vector<16xf32>,
        %mul3A_703 = arith.mulf %mul3A_348, %gather3A_702 : vector<16xf32>
        %add3A_704 = arith.addf %add3A_701, %mul3A_703 : vector<16xf32>
        %gather3A_705 = tpu.vector_load_idx %arg9[%add3A_28, %broadcast_in_dim3A_684] : memref<128x128xf32, #tpu.memory_space<vmem>>[vector<16xi32>, vector<16xi32>], vector<16xf32>,
        %mul3A_706 = arith.mulf %mul3A_349, %gather3A_705 : vector<16xf32>
        %add3A_707 = arith.addf %add3A_704, %mul3A_706 : vector<16xf32>
        %add3A_708 = arith.addi %mul3A_31, %broadcast_in_dim3A_684 : vector<16xi32>
        tpu.vector_store_idx %arg13[%add3A_708], %add3A_707 : memref<2064xf32, #tpu.memory_space<vmem>>[vector<16xi32>], vector<16xf32>,
      }
      %scan3A_363 = arith.constant 128 : i32
      %gather3A_364 = tpu.vector_load_idx %arg11[%add3A_7] : memref<128xf32, #tpu.memory_space<vmem>>[vector<16xi32>], vector<16xf32>,
      %mul3A_365 = arith.mulf %mul3A_342, %gather3A_364 : vector<16xf32>
      %gather3A_366 = tpu.vector_load_idx %arg11[%add3A_10] : memref<128xf32, #tpu.memory_space<vmem>>[vector<16xi32>], vector<16xf32>,
      %mul3A_367 = arith.mulf %mul3A_343, %gather3A_366 : vector<16xf32>
      %add3A_368 = arith.addf %mul3A_365, %mul3A_367 : vector<16xf32>
      %gather3A_369 = tpu.vector_load_idx %arg11[%add3A_13] : memref<128xf32, #tpu.memory_space<vmem>>[vector<16xi32>], vector<16xf32>,
      %mul3A_370 = arith.mulf %mul3A_344, %gather3A_369 : vector<16xf32>
      %add3A_371 = arith.addf %add3A_368, %mul3A_370 : vector<16xf32>
      %gather3A_372 = tpu.vector_load_idx %arg11[%add3A_16] : memref<128xf32, #tpu.memory_space<vmem>>[vector<16xi32>], vector<16xf32>,
      %mul3A_373 = arith.mulf %mul3A_345, %gather3A_372 : vector<16xf32>
      %add3A_374 = arith.addf %add3A_371, %mul3A_373 : vector<16xf32>
      %gather3A_375 = tpu.vector_load_idx %arg11[%add3A_19] : memref<128xf32, #tpu.memory_space<vmem>>[vector<16xi32>], vector<16xf32>,
      %mul3A_376 = arith.mulf %mul3A_346, %gather3A_375 : vector<16xf32>
      %add3A_377 = arith.addf %add3A_374, %mul3A_376 : vector<16xf32>
      %gather3A_378 = tpu.vector_load_idx %arg11[%add3A_22] : memref<128xf32, #tpu.memory_space<vmem>>[vector<16xi32>], vector<16xf32>,
      %mul3A_379 = arith.mulf %mul3A_347, %gather3A_378 : vector<16xf32>
      %add3A_380 = arith.addf %add3A_377, %mul3A_379 : vector<16xf32>
      %gather3A_381 = tpu.vector_load_idx %arg11[%add3A_25] : memref<128xf32, #tpu.memory_space<vmem>>[vector<16xi32>], vector<16xf32>,
      %mul3A_382 = arith.mulf %mul3A_348, %gather3A_381 : vector<16xf32>
      %add3A_383 = arith.addf %add3A_380, %mul3A_382 : vector<16xf32>
      %gather3A_384 = tpu.vector_load_idx %arg11[%add3A_28] : memref<128xf32, #tpu.memory_space<vmem>>[vector<16xi32>], vector<16xf32>,
      %mul3A_385 = arith.mulf %mul3A_349, %gather3A_384 : vector<16xf32>
      %add3A_386 = arith.addf %add3A_383, %mul3A_385 : vector<16xf32>
      %add3A_387 = arith.constant 128 : i32
      %add3A_388 = vector.broadcast %add3A_387 : i32 to vector<16xi32>
      %add3A_389 = arith.addi %mul3A_31, %add3A_388 : vector<16xi32>
      tpu.vector_store_idx %arg13[%add3A_389], %add3A_386 : memref<2064xf32, #tpu.memory_space<vmem>>[vector<16xi32>], vector<16xf32>,
      %mul3A_390 = arith.constant 16 : i32
      %mul3A_391 = arith.muli %add3A_211, %mul3A_390 : i32
      %add3A_392 = arith.addi %mul3A_2, %mul3A_391 : i32
      %mul3A_393 = arith.constant 129 : i32
      %mul3A_394 = arith.muli %add3A_392, %mul3A_393 : i32
      %dma_start3A_395 = tpu.memref_slice %arg5[%mul3A_394] : memref<16908288xf32, #tpu.memory_space<hbm>> -> memref<2064xf32, #tpu.memory_space<hbm>>
      %dma_start3A_396 = tpu.memref_slice %arg5[%mul3A_394] : memref<16908288xf32, #tpu.memory_space<hbm>> -> memref<2064xf32, #tpu.memory_space<hbm>>
      tpu.enqueue_dma source(%arg13 : memref<2064xf32, #tpu.memory_space<vmem>>) target(%dma_start3A_396 : memref<2064xf32, #tpu.memory_space<hbm>>) target_semaphore(%arg19 : memref<!tpu.dma_semaphore, #tpu.memory_space<semaphore_mem>>)
      %add3A_397 = arith.constant 1 : i32
      %add3A_398 = arith.addi %add3A_209, %add3A_397 : i32
      %add3A_399 = arith.constant 1 : i32
      %add3A_400 = arith.addi %add3A_398, %add3A_399 : i32
      %lt3A_401 = arith.constant 256 : i32
      %lt3A_402 = arith.cmpi slt, %add3A_400, %lt3A_401 : i32
      %convert_element_type3A_403 = arith.extui %lt3A_402 : i1 to i32
      %cond3A_404 = arith.constant 0 : i32
      %cond3A_405 = arith.cmpi ne, %convert_element_type3A_403, %cond3A_404 : i32
      scf.if %cond3A_405 {
        %add3A_586 = arith.constant 1 : i32
        %add3A_587 = arith.addi %add3A_398, %add3A_586 : i32
        %mul3A_588 = arith.constant 48 : i32
        %mul3A_589 = arith.muli %add3A_587, %mul3A_588 : i32
        %mul3A_590 = arith.constant 3 : i32
        %mul3A_591 = vector.broadcast %mul3A_590 : i32 to vector<16xi32>
        %mul3A_592 = arith.muli %iota3A, %mul3A_591 : vector<16xi32>
        %add3A_593 = vector.broadcast %mul3A_589 : i32 to vector<16xi32>
        %add3A_594 = arith.addi %add3A_593, %mul3A_592 : vector<16xi32>
        %gather3A_595 = tpu.vector_load_idx %arg6[%add3A_594] : memref<12288xf32, #tpu.memory_space<vmem>>[vector<16xi32>], vector<16xf32>,
        %add3A_596 = arith.constant 1 : i32
        %add3A_597 = vector.broadcast %add3A_596 : i32 to vector<16xi32>
        %add3A_598 = arith.addi %add3A_594, %add3A_597 : vector<16xi32>
        %gather3A_599 = tpu.vector_load_idx %arg6[%add3A_598] : memref<12288xf32, #tpu.memory_space<vmem>>[vector<16xi32>], vector<16xf32>,
        %add3A_600 = arith.constant 2 : i32
        %add3A_601 = vector.broadcast %add3A_600 : i32 to vector<16xi32>
        %add3A_602 = arith.addi %add3A_594, %add3A_601 : vector<16xi32>
        %gather3A_603 = tpu.vector_load_idx %arg6[%add3A_602] : memref<12288xf32, #tpu.memory_space<vmem>>[vector<16xi32>], vector<16xf32>,
        %div3A_604 = arith.constant 1.500000e+00 : f32
        %div3A_605 = vector.broadcast %div3A_604 : f32 to vector<16xf32>
        %div3A_606 = arith.divf %gather3A_595, %div3A_605 : vector<16xf32>
        %jit3A_607 = arith.constant -1.000000e+00 : f32
        %jit3A_608 = arith.constant 1.000000e+00 : f32
        %max3A_609 = vector.broadcast %jit3A_607 : f32 to vector<16xf32>
        %max3A_610 = arith.maximumf %max3A_609, %div3A_606 : vector<16xf32>
        %min3A_611 = vector.broadcast %jit3A_608 : f32 to vector<16xf32>
        %min3A_612 = arith.minimumf %min3A_611, %max3A_610 : vector<16xf32>
        %add3A_613 = arith.constant 1.000000e+00 : f32
        %add3A_614 = vector.broadcast %add3A_613 : f32 to vector<16xf32>
        %add3A_615 = arith.addf %min3A_612, %add3A_614 : vector<16xf32>
        %mul3A_616 = arith.constant 4.750000e+01 : f32
        %mul3A_617 = vector.broadcast %mul3A_616 : f32 to vector<16xf32>
        %mul3A_618 = arith.mulf %add3A_615, %mul3A_617 : vector<16xf32>
        %convert_element_type3A_619 = arith.fptosi %mul3A_618 : vector<16xf32> to vector<16xi32>
        %min3A_620 = arith.constant 94 : i32
        %min3A_621 = vector.broadcast %min3A_620 : i32 to vector<16xi32>
        %min3A_622 = arith.minsi %convert_element_type3A_619, %min3A_621 : vector<16xi32>
        %convert_element_type3A_623 = arith.sitofp %min3A_622 : vector<16xi32> to vector<16xf32>
        %sub3A_624 = arith.subf %mul3A_618, %convert_element_type3A_623 : vector<16xf32>
        %div3A_625 = arith.constant 1.500000e+00 : f32
        %div3A_626 = vector.broadcast %div3A_625 : f32 to vector<16xf32>
        %div3A_627 = arith.divf %gather3A_599, %div3A_626 : vector<16xf32>
        %jit3A_628 = arith.constant -1.000000e+00 : f32
        %jit3A_629 = arith.constant 1.000000e+00 : f32
        %max3A_630 = vector.broadcast %jit3A_628 : f32 to vector<16xf32>
        %max3A_631 = arith.maximumf %max3A_630, %div3A_627 : vector<16xf32>
        %min3A_632 = vector.broadcast %jit3A_629 : f32 to vector<16xf32>
        %min3A_633 = arith.minimumf %min3A_632, %max3A_631 : vector<16xf32>
        %add3A_634 = arith.constant 1.000000e+00 : f32
        %add3A_635 = vector.broadcast %add3A_634 : f32 to vector<16xf32>
        %add3A_636 = arith.addf %min3A_633, %add3A_635 : vector<16xf32>
        %mul3A_637 = arith.constant 4.750000e+01 : f32
        %mul3A_638 = vector.broadcast %mul3A_637 : f32 to vector<16xf32>
        %mul3A_639 = arith.mulf %add3A_636, %mul3A_638 : vector<16xf32>
        %convert_element_type3A_640 = arith.fptosi %mul3A_639 : vector<16xf32> to vector<16xi32>
        %min3A_641 = arith.constant 94 : i32
        %min3A_642 = vector.broadcast %min3A_641 : i32 to vector<16xi32>
        %min3A_643 = arith.minsi %convert_element_type3A_640, %min3A_642 : vector<16xi32>
        %convert_element_type3A_644 = arith.sitofp %min3A_643 : vector<16xi32> to vector<16xf32>
        %sub3A_645 = arith.subf %mul3A_639, %convert_element_type3A_644 : vector<16xf32>
        %div3A_646 = arith.constant 1.500000e+00 : f32
        %div3A_647 = vector.broadcast %div3A_646 : f32 to vector<16xf32>
        %div3A_648 = arith.divf %gather3A_603, %div3A_647 : vector<16xf32>
        %jit3A_649 = arith.constant -1.000000e+00 : f32
        %jit3A_650 = arith.constant 1.000000e+00 : f32
        %max3A_651 = vector.broadcast %jit3A_649 : f32 to vector<16xf32>
        %max3A_652 = arith.maximumf %max3A_651, %div3A_648 : vector<16xf32>
        %min3A_653 = vector.broadcast %jit3A_650 : f32 to vector<16xf32>
        %min3A_654 = arith.minimumf %min3A_653, %max3A_652 : vector<16xf32>
        %add3A_655 = arith.constant 1.000000e+00 : f32
        %add3A_656 = vector.broadcast %add3A_655 : f32 to vector<16xf32>
        %add3A_657 = arith.addf %min3A_654, %add3A_656 : vector<16xf32>
        %mul3A_658 = arith.constant 4.750000e+01 : f32
        %mul3A_659 = vector.broadcast %mul3A_658 : f32 to vector<16xf32>
        %mul3A_660 = arith.mulf %add3A_657, %mul3A_659 : vector<16xf32>
        %convert_element_type3A_661 = arith.fptosi %mul3A_660 : vector<16xf32> to vector<16xi32>
        %min3A_662 = arith.constant 94 : i32
        %min3A_663 = vector.broadcast %min3A_662 : i32 to vector<16xi32>
        %min3A_664 = arith.minsi %convert_element_type3A_661, %min3A_663 : vector<16xi32>
        %convert_element_type3A_665 = arith.sitofp %min3A_664 : vector<16xi32> to vector<16xf32>
        %sub3A_666 = arith.subf %mul3A_660, %convert_element_type3A_665 : vector<16xf32>
        %mul3A_667 = arith.constant 96 : i32
        %mul3A_668 = vector.broadcast %mul3A_667 : i32 to vector<16xi32>
        %mul3A_669 = arith.muli %min3A_664, %mul3A_668 : vector<16xi32>
        %add3A_670 = arith.addi %mul3A_669, %min3A_643 : vector<16xi32>
        %mul3A_671 = arith.constant 96 : i32
        %mul3A_672 = vector.broadcast %mul3A_671 : i32 to vector<16xi32>
        %mul3A_673 = arith.muli %add3A_670, %mul3A_672 : vector<16xi32>
        %add3A_674 = arith.addi %mul3A_673, %min3A_622 : vector<16xi32>
        %abs3A_675 = math.absf %gather3A_595 : vector<16xf32>
        %lt3A_676 = arith.constant 1.500000e+00 : f32
        %lt3A_677 = vector.broadcast %lt3A_676 : f32 to vector<16xf32>
        %lt3A_678 = arith.cmpf olt, %abs3A_675, %lt3A_677 : vector<16xf32>
        %abs3A_679 = math.absf %gather3A_599 : vector<16xf32>
        %lt3A_680 = arith.constant 1.500000e+00 : f32
        %lt3A_681 = vector.broadcast %lt3A_680 : f32 to vector<16xf32>
        %lt3A_682 = arith.cmpf olt, %abs3A_679, %lt3A_681 : vector<16xf32>
        %and3A_683 = arith.andi %lt3A_678, %lt3A_682 : vector<16xi1>
        %abs3A_684 = math.absf %gather3A_603 : vector<16xf32>
        %lt3A_685 = arith.constant 1.500000e+00 : f32
        %lt3A_686 = vector.broadcast %lt3A_685 : f32 to vector<16xf32>
        %lt3A_687 = arith.cmpf olt, %abs3A_684, %lt3A_686 : vector<16xf32>
        %and3A_688 = arith.andi %and3A_683, %lt3A_687 : vector<16xi1>
        %jit3A_689 = arith.constant 1.000000e+00 : f32
        %jit3A_690 = arith.constant 0.000000e+00 : f32
        %broadcast_in_dim3A_691 = vector.broadcast %jit3A_689 : f32 to vector<16xf32>
        %broadcast_in_dim3A_692 = vector.broadcast %jit3A_690 : f32 to vector<16xf32>
        %select_n3A_693 = arith.select %and3A_688, %broadcast_in_dim3A_691, %broadcast_in_dim3A_692 : vector<16xi1>, vector<16xf32>
        %sub3A_694 = arith.constant 1.000000e+00 : f32
        %sub3A_695 = vector.broadcast %sub3A_694 : f32 to vector<16xf32>
        %sub3A_696 = arith.subf %sub3A_695, %sub3A_666 : vector<16xf32>
        %mul3A_697 = arith.mulf %sub3A_696, %select_n3A_693 : vector<16xf32>
        %mul3A_698 = arith.mulf %sub3A_666, %select_n3A_693 : vector<16xf32>
        %sub3A_699 = arith.constant 1.000000e+00 : f32
        %sub3A_700 = vector.broadcast %sub3A_699 : f32 to vector<16xf32>
        %sub3A_701 = arith.subf %sub3A_700, %sub3A_645 : vector<16xf32>
        %mul3A_702 = arith.mulf %sub3A_701, %mul3A_697 : vector<16xf32>
        %mul3A_703 = arith.mulf %sub3A_645, %mul3A_697 : vector<16xf32>
        %sub3A_704 = arith.constant 1.000000e+00 : f32
        %sub3A_705 = vector.broadcast %sub3A_704 : f32 to vector<16xf32>
        %sub3A_706 = arith.subf %sub3A_705, %sub3A_645 : vector<16xf32>
        %mul3A_707 = arith.mulf %sub3A_706, %mul3A_698 : vector<16xf32>
        %mul3A_708 = arith.mulf %sub3A_645, %mul3A_698 : vector<16xf32>
        %sub3A_709 = arith.constant 1.000000e+00 : f32
        %sub3A_710 = vector.broadcast %sub3A_709 : f32 to vector<16xf32>
        %sub3A_711 = arith.subf %sub3A_710, %sub3A_624 : vector<16xf32>
        %mul3A_712 = arith.mulf %sub3A_711, %mul3A_702 : vector<16xf32>
        %mul3A_713 = arith.mulf %sub3A_624, %mul3A_702 : vector<16xf32>
        %mul3A_714 = arith.mulf %sub3A_711, %mul3A_703 : vector<16xf32>
        %mul3A_715 = arith.mulf %sub3A_624, %mul3A_703 : vector<16xf32>
        %mul3A_716 = arith.mulf %sub3A_711, %mul3A_707 : vector<16xf32>
        %mul3A_717 = arith.mulf %sub3A_624, %mul3A_707 : vector<16xf32>
        %mul3A_718 = arith.mulf %sub3A_711, %mul3A_708 : vector<16xf32>
        %mul3A_719 = arith.mulf %sub3A_624, %mul3A_708 : vector<16xf32>
        %add3A_720 = arith.constant 0 : i32
        %add3A_721 = vector.broadcast %add3A_720 : i32 to vector<16xi32>
        %add3A_722 = arith.addi %add3A_674, %add3A_721 : vector<16xi32>
        %swap3A_723 = arith.constant 0 : index
        %swap3A_724 = tpu.vector_load %arg7[%swap3A_723] {strides = array<i32>} : memref<128xi32, #tpu.memory_space<vmem>>, vector<16xi32>,
        tpu.vector_store %arg7[%swap3A_723], %add3A_722 {strides = array<i32>} : memref<128xi32, #tpu.memory_space<vmem>>, vector<16xi32>,
        %add3A_725 = arith.constant 1 : i32
        %add3A_726 = vector.broadcast %add3A_725 : i32 to vector<16xi32>
        %add3A_727 = arith.addi %add3A_674, %add3A_726 : vector<16xi32>
        %swap3A_728 = arith.constant 16 : index
        %swap3A_729 = tpu.vector_load %arg7[%swap3A_728] {strides = array<i32>} : memref<128xi32, #tpu.memory_space<vmem>>, vector<16xi32>,
        tpu.vector_store %arg7[%swap3A_728], %add3A_727 {strides = array<i32>} : memref<128xi32, #tpu.memory_space<vmem>>, vector<16xi32>,
        %add3A_730 = arith.constant 96 : i32
        %add3A_731 = vector.broadcast %add3A_730 : i32 to vector<16xi32>
        %add3A_732 = arith.addi %add3A_674, %add3A_731 : vector<16xi32>
        %swap3A_733 = arith.constant 32 : index
        %swap3A_734 = tpu.vector_load %arg7[%swap3A_733] {strides = array<i32>} : memref<128xi32, #tpu.memory_space<vmem>>, vector<16xi32>,
        tpu.vector_store %arg7[%swap3A_733], %add3A_732 {strides = array<i32>} : memref<128xi32, #tpu.memory_space<vmem>>, vector<16xi32>,
        %add3A_735 = arith.constant 97 : i32
        %add3A_736 = vector.broadcast %add3A_735 : i32 to vector<16xi32>
        %add3A_737 = arith.addi %add3A_674, %add3A_736 : vector<16xi32>
        %swap3A_738 = arith.constant 48 : index
        %swap3A_739 = tpu.vector_load %arg7[%swap3A_738] {strides = array<i32>} : memref<128xi32, #tpu.memory_space<vmem>>, vector<16xi32>,
        tpu.vector_store %arg7[%swap3A_738], %add3A_737 {strides = array<i32>} : memref<128xi32, #tpu.memory_space<vmem>>, vector<16xi32>,
        %add3A_740 = arith.constant 9216 : i32
        %add3A_741 = vector.broadcast %add3A_740 : i32 to vector<16xi32>
        %add3A_742 = arith.addi %add3A_674, %add3A_741 : vector<16xi32>
        %swap3A_743 = arith.constant 64 : index
        %swap3A_744 = tpu.vector_load %arg7[%swap3A_743] {strides = array<i32>} : memref<128xi32, #tpu.memory_space<vmem>>, vector<16xi32>,
        tpu.vector_store %arg7[%swap3A_743], %add3A_742 {strides = array<i32>} : memref<128xi32, #tpu.memory_space<vmem>>, vector<16xi32>,
        %add3A_745 = arith.constant 9217 : i32
        %add3A_746 = vector.broadcast %add3A_745 : i32 to vector<16xi32>
        %add3A_747 = arith.addi %add3A_674, %add3A_746 : vector<16xi32>
        %swap3A_748 = arith.constant 80 : index
        %swap3A_749 = tpu.vector_load %arg7[%swap3A_748] {strides = array<i32>} : memref<128xi32, #tpu.memory_space<vmem>>, vector<16xi32>,
        tpu.vector_store %arg7[%swap3A_748], %add3A_747 {strides = array<i32>} : memref<128xi32, #tpu.memory_space<vmem>>, vector<16xi32>,
        %add3A_750 = arith.constant 9312 : i32
        %add3A_751 = vector.broadcast %add3A_750 : i32 to vector<16xi32>
        %add3A_752 = arith.addi %add3A_674, %add3A_751 : vector<16xi32>
        %swap3A_753 = arith.constant 96 : index
        %swap3A_754 = tpu.vector_load %arg7[%swap3A_753] {strides = array<i32>} : memref<128xi32, #tpu.memory_space<vmem>>, vector<16xi32>,
        tpu.vector_store %arg7[%swap3A_753], %add3A_752 {strides = array<i32>} : memref<128xi32, #tpu.memory_space<vmem>>, vector<16xi32>,
        %add3A_755 = arith.constant 9313 : i32
        %add3A_756 = vector.broadcast %add3A_755 : i32 to vector<16xi32>
        %add3A_757 = arith.addi %add3A_674, %add3A_756 : vector<16xi32>
        %swap3A_758 = arith.constant 112 : index
        %swap3A_759 = tpu.vector_load %arg7[%swap3A_758] {strides = array<i32>} : memref<128xi32, #tpu.memory_space<vmem>>, vector<16xi32>,
        tpu.vector_store %arg7[%swap3A_758], %add3A_757 {strides = array<i32>} : memref<128xi32, #tpu.memory_space<vmem>>, vector<16xi32>,
        %dma_start3A_760 = arith.constant 0 : i32
        %dma_start3A_761 = arith.constant 0 : i32
        %dma_start3A_762 = tpu.memref_slice %arg3[%dma_start3A_760, %dma_start3A_761] : memref<884736x128xf32, #tpu.memory_space<hbm>> -> memref<884736x128xf32, #tpu.memory_space<hbm>>
        tpu.enqueue_indirect_dma source(%dma_start3A_762 : memref<884736x128xf32, #tpu.memory_space<hbm>>) target(%arg9 : memref<128x128xf32, #tpu.memory_space<vmem>>) offsets(%arg7 : memref<128xi32, #tpu.memory_space<vmem>>) semaphore(%arg15 : memref<!tpu.dma_semaphore, #tpu.memory_space<semaphore_mem>>)
        %dma_start3A_763 = arith.constant 0 : i32
        %dma_start3A_764 = tpu.memref_slice %arg4[%dma_start3A_763] : memref<884736xf32, #tpu.memory_space<hbm>> -> memref<884736xf32, #tpu.memory_space<hbm>>
        tpu.enqueue_indirect_dma source(%dma_start3A_764 : memref<884736xf32, #tpu.memory_space<hbm>>) target(%arg11 : memref<128xf32, #tpu.memory_space<vmem>>) offsets(%arg7 : memref<128xi32, #tpu.memory_space<vmem>>) semaphore(%arg17 : memref<!tpu.dma_semaphore, #tpu.memory_space<semaphore_mem>>)
      } else {
      }
      %mul3A_406 = arith.constant 48 : i32
      %mul3A_407 = arith.muli %add3A_398, %mul3A_406 : i32
      %mul3A_408 = arith.constant 3 : i32
      %mul3A_409 = vector.broadcast %mul3A_408 : i32 to vector<16xi32>
      %mul3A_410 = arith.muli %iota3A, %mul3A_409 : vector<16xi32>
      %add3A_411 = vector.broadcast %mul3A_407 : i32 to vector<16xi32>
      %add3A_412 = arith.addi %add3A_411, %mul3A_410 : vector<16xi32>
      %gather3A_413 = tpu.vector_load_idx %arg6[%add3A_412] : memref<12288xf32, #tpu.memory_space<vmem>>[vector<16xi32>], vector<16xf32>,
      %add3A_414 = arith.constant 1 : i32
      %add3A_415 = vector.broadcast %add3A_414 : i32 to vector<16xi32>
      %add3A_416 = arith.addi %add3A_412, %add3A_415 : vector<16xi32>
      %gather3A_417 = tpu.vector_load_idx %arg6[%add3A_416] : memref<12288xf32, #tpu.memory_space<vmem>>[vector<16xi32>], vector<16xf32>,
      %add3A_418 = arith.constant 2 : i32
      %add3A_419 = vector.broadcast %add3A_418 : i32 to vector<16xi32>
      %add3A_420 = arith.addi %add3A_412, %add3A_419 : vector<16xi32>
      %gather3A_421 = tpu.vector_load_idx %arg6[%add3A_420] : memref<12288xf32, #tpu.memory_space<vmem>>[vector<16xi32>], vector<16xf32>,
      %div3A_422 = arith.constant 1.500000e+00 : f32
      %div3A_423 = vector.broadcast %div3A_422 : f32 to vector<16xf32>
      %div3A_424 = arith.divf %gather3A_413, %div3A_423 : vector<16xf32>
      %jit3A_425 = arith.constant -1.000000e+00 : f32
      %jit3A_426 = arith.constant 1.000000e+00 : f32
      %max3A_427 = vector.broadcast %jit3A_425 : f32 to vector<16xf32>
      %max3A_428 = arith.maximumf %max3A_427, %div3A_424 : vector<16xf32>
      %min3A_429 = vector.broadcast %jit3A_426 : f32 to vector<16xf32>
      %min3A_430 = arith.minimumf %min3A_429, %max3A_428 : vector<16xf32>
      %add3A_431 = arith.constant 1.000000e+00 : f32
      %add3A_432 = vector.broadcast %add3A_431 : f32 to vector<16xf32>
      %add3A_433 = arith.addf %min3A_430, %add3A_432 : vector<16xf32>
      %mul3A_434 = arith.constant 4.750000e+01 : f32
      %mul3A_435 = vector.broadcast %mul3A_434 : f32 to vector<16xf32>
      %mul3A_436 = arith.mulf %add3A_433, %mul3A_435 : vector<16xf32>
      %convert_element_type3A_437 = arith.fptosi %mul3A_436 : vector<16xf32> to vector<16xi32>
      %min3A_438 = arith.constant 94 : i32
      %min3A_439 = vector.broadcast %min3A_438 : i32 to vector<16xi32>
      %min3A_440 = arith.minsi %convert_element_type3A_437, %min3A_439 : vector<16xi32>
      %convert_element_type3A_441 = arith.sitofp %min3A_440 : vector<16xi32> to vector<16xf32>
      %sub3A_442 = arith.subf %mul3A_436, %convert_element_type3A_441 : vector<16xf32>
      %div3A_443 = arith.constant 1.500000e+00 : f32
      %div3A_444 = vector.broadcast %div3A_443 : f32 to vector<16xf32>
      %div3A_445 = arith.divf %gather3A_417, %div3A_444 : vector<16xf32>
      %jit3A_446 = arith.constant -1.000000e+00 : f32
      %jit3A_447 = arith.constant 1.000000e+00 : f32
      %max3A_448 = vector.broadcast %jit3A_446 : f32 to vector<16xf32>
      %max3A_449 = arith.maximumf %max3A_448, %div3A_445 : vector<16xf32>
      %min3A_450 = vector.broadcast %jit3A_447 : f32 to vector<16xf32>
      %min3A_451 = arith.minimumf %min3A_450, %max3A_449 : vector<16xf32>
      %add3A_452 = arith.constant 1.000000e+00 : f32
      %add3A_453 = vector.broadcast %add3A_452 : f32 to vector<16xf32>
      %add3A_454 = arith.addf %min3A_451, %add3A_453 : vector<16xf32>
      %mul3A_455 = arith.constant 4.750000e+01 : f32
      %mul3A_456 = vector.broadcast %mul3A_455 : f32 to vector<16xf32>
      %mul3A_457 = arith.mulf %add3A_454, %mul3A_456 : vector<16xf32>
      %convert_element_type3A_458 = arith.fptosi %mul3A_457 : vector<16xf32> to vector<16xi32>
      %min3A_459 = arith.constant 94 : i32
      %min3A_460 = vector.broadcast %min3A_459 : i32 to vector<16xi32>
      %min3A_461 = arith.minsi %convert_element_type3A_458, %min3A_460 : vector<16xi32>
      %convert_element_type3A_462 = arith.sitofp %min3A_461 : vector<16xi32> to vector<16xf32>
      %sub3A_463 = arith.subf %mul3A_457, %convert_element_type3A_462 : vector<16xf32>
      %div3A_464 = arith.constant 1.500000e+00 : f32
      %div3A_465 = vector.broadcast %div3A_464 : f32 to vector<16xf32>
      %div3A_466 = arith.divf %gather3A_421, %div3A_465 : vector<16xf32>
      %jit3A_467 = arith.constant -1.000000e+00 : f32
      %jit3A_468 = arith.constant 1.000000e+00 : f32
      %max3A_469 = vector.broadcast %jit3A_467 : f32 to vector<16xf32>
      %max3A_470 = arith.maximumf %max3A_469, %div3A_466 : vector<16xf32>
      %min3A_471 = vector.broadcast %jit3A_468 : f32 to vector<16xf32>
      %min3A_472 = arith.minimumf %min3A_471, %max3A_470 : vector<16xf32>
      %add3A_473 = arith.constant 1.000000e+00 : f32
      %add3A_474 = vector.broadcast %add3A_473 : f32 to vector<16xf32>
      %add3A_475 = arith.addf %min3A_472, %add3A_474 : vector<16xf32>
      %mul3A_476 = arith.constant 4.750000e+01 : f32
      %mul3A_477 = vector.broadcast %mul3A_476 : f32 to vector<16xf32>
      %mul3A_478 = arith.mulf %add3A_475, %mul3A_477 : vector<16xf32>
      %convert_element_type3A_479 = arith.fptosi %mul3A_478 : vector<16xf32> to vector<16xi32>
      %min3A_480 = arith.constant 94 : i32
      %min3A_481 = vector.broadcast %min3A_480 : i32 to vector<16xi32>
      %min3A_482 = arith.minsi %convert_element_type3A_479, %min3A_481 : vector<16xi32>
      %convert_element_type3A_483 = arith.sitofp %min3A_482 : vector<16xi32> to vector<16xf32>
      %sub3A_484 = arith.subf %mul3A_478, %convert_element_type3A_483 : vector<16xf32>
      %mul3A_485 = arith.constant 96 : i32
      %mul3A_486 = vector.broadcast %mul3A_485 : i32 to vector<16xi32>
      %mul3A_487 = arith.muli %min3A_482, %mul3A_486 : vector<16xi32>
      %add3A_488 = arith.addi %mul3A_487, %min3A_461 : vector<16xi32>
      %mul3A_489 = arith.constant 96 : i32
      %mul3A_490 = vector.broadcast %mul3A_489 : i32 to vector<16xi32>
      %mul3A_491 = arith.muli %add3A_488, %mul3A_490 : vector<16xi32>
      %add3A_492 = arith.addi %mul3A_491, %min3A_440 : vector<16xi32>
      %abs3A_493 = math.absf %gather3A_413 : vector<16xf32>
      %lt3A_494 = arith.constant 1.500000e+00 : f32
      %lt3A_495 = vector.broadcast %lt3A_494 : f32 to vector<16xf32>
      %lt3A_496 = arith.cmpf olt, %abs3A_493, %lt3A_495 : vector<16xf32>
      %abs3A_497 = math.absf %gather3A_417 : vector<16xf32>
      %lt3A_498 = arith.constant 1.500000e+00 : f32
      %lt3A_499 = vector.broadcast %lt3A_498 : f32 to vector<16xf32>
      %lt3A_500 = arith.cmpf olt, %abs3A_497, %lt3A_499 : vector<16xf32>
      %and3A_501 = arith.andi %lt3A_496, %lt3A_500 : vector<16xi1>
      %abs3A_502 = math.absf %gather3A_421 : vector<16xf32>
      %lt3A_503 = arith.constant 1.500000e+00 : f32
      %lt3A_504 = vector.broadcast %lt3A_503 : f32 to vector<16xf32>
      %lt3A_505 = arith.cmpf olt, %abs3A_502, %lt3A_504 : vector<16xf32>
      %and3A_506 = arith.andi %and3A_501, %lt3A_505 : vector<16xi1>
      %jit3A_507 = arith.constant 1.000000e+00 : f32
      %jit3A_508 = arith.constant 0.000000e+00 : f32
      %broadcast_in_dim3A_509 = vector.broadcast %jit3A_507 : f32 to vector<16xf32>
      %broadcast_in_dim3A_510 = vector.broadcast %jit3A_508 : f32 to vector<16xf32>
      %select_n3A_511 = arith.select %and3A_506, %broadcast_in_dim3A_509, %broadcast_in_dim3A_510 : vector<16xi1>, vector<16xf32>
      %sub3A_512 = arith.constant 1.000000e+00 : f32
      %sub3A_513 = vector.broadcast %sub3A_512 : f32 to vector<16xf32>
      %sub3A_514 = arith.subf %sub3A_513, %sub3A_484 : vector<16xf32>
      %mul3A_515 = arith.mulf %sub3A_514, %select_n3A_511 : vector<16xf32>
      %mul3A_516 = arith.mulf %sub3A_484, %select_n3A_511 : vector<16xf32>
      %sub3A_517 = arith.constant 1.000000e+00 : f32
      %sub3A_518 = vector.broadcast %sub3A_517 : f32 to vector<16xf32>
      %sub3A_519 = arith.subf %sub3A_518, %sub3A_463 : vector<16xf32>
      %mul3A_520 = arith.mulf %sub3A_519, %mul3A_515 : vector<16xf32>
      %mul3A_521 = arith.mulf %sub3A_463, %mul3A_515 : vector<16xf32>
      %sub3A_522 = arith.constant 1.000000e+00 : f32
      %sub3A_523 = vector.broadcast %sub3A_522 : f32 to vector<16xf32>
      %sub3A_524 = arith.subf %sub3A_523, %sub3A_463 : vector<16xf32>
      %mul3A_525 = arith.mulf %sub3A_524, %mul3A_516 : vector<16xf32>
      %mul3A_526 = arith.mulf %sub3A_463, %mul3A_516 : vector<16xf32>
      %sub3A_527 = arith.constant 1.000000e+00 : f32
      %sub3A_528 = vector.broadcast %sub3A_527 : f32 to vector<16xf32>
      %sub3A_529 = arith.subf %sub3A_528, %sub3A_442 : vector<16xf32>
      %mul3A_530 = arith.mulf %sub3A_529, %mul3A_520 : vector<16xf32>
      %mul3A_531 = arith.mulf %sub3A_442, %mul3A_520 : vector<16xf32>
      %mul3A_532 = arith.mulf %sub3A_529, %mul3A_521 : vector<16xf32>
      %mul3A_533 = arith.mulf %sub3A_442, %mul3A_521 : vector<16xf32>
      %mul3A_534 = arith.mulf %sub3A_529, %mul3A_525 : vector<16xf32>
      %mul3A_535 = arith.mulf %sub3A_442, %mul3A_525 : vector<16xf32>
      %mul3A_536 = arith.mulf %sub3A_529, %mul3A_526 : vector<16xf32>
      %mul3A_537 = arith.mulf %sub3A_442, %mul3A_526 : vector<16xf32>
      %dma_wait3A_538 = arith.constant 0 : i32
      %dma_wait3A_539 = arith.constant 0 : i32
      %dma_wait3A_540 = tpu.memref_slice %arg3[%dma_wait3A_538, %dma_wait3A_539] : memref<884736x128xf32, #tpu.memory_space<hbm>> -> memref<884736x128xf32, #tpu.memory_space<hbm>>
      tpu.wait_indirect_dma semaphore(%arg16 : memref<!tpu.dma_semaphore, #tpu.memory_space<semaphore_mem>>) src(%dma_wait3A_540 : memref<884736x128xf32, #tpu.memory_space<hbm>>) dst(%arg10 : memref<128x128xf32, #tpu.memory_space<vmem>>)
      %dma_wait3A_541 = arith.constant 0 : i32
      %dma_wait3A_542 = tpu.memref_slice %arg4[%dma_wait3A_541] : memref<884736xf32, #tpu.memory_space<hbm>> -> memref<884736xf32, #tpu.memory_space<hbm>>
      tpu.wait_indirect_dma semaphore(%arg18 : memref<!tpu.dma_semaphore, #tpu.memory_space<semaphore_mem>>) src(%dma_wait3A_542 : memref<884736xf32, #tpu.memory_space<hbm>>) dst(%arg12 : memref<128xf32, #tpu.memory_space<vmem>>)
      %ge3A_543 = arith.constant 2 : i32
      %ge3A_544 = arith.cmpi sge, %add3A_398, %ge3A_543 : i32
      %convert_element_type3A_545 = arith.extui %ge3A_544 : i1 to i32
      %cond3A_546 = arith.constant 0 : i32
      %cond3A_547 = arith.cmpi ne, %convert_element_type3A_545, %cond3A_546 : i32
      scf.if %cond3A_547 {
        %dma_wait3A_586 = arith.constant 0 : i32
        %dma_wait3A_587 = tpu.memref_slice %arg5[%dma_wait3A_586] : memref<16908288xf32, #tpu.memory_space<hbm>> -> memref<2064xf32, #tpu.memory_space<hbm>>
        %dma_wait3A_588 = arith.constant 0 : i32
        %dma_wait3A_589 = tpu.memref_slice %arg5[%dma_wait3A_588] : memref<16908288xf32, #tpu.memory_space<hbm>> -> memref<2064xf32, #tpu.memory_space<hbm>>
        tpu.wait_dma2 semaphore(%arg20 : memref<!tpu.dma_semaphore, #tpu.memory_space<semaphore_mem>>) src(%arg14 : memref<2064xf32, #tpu.memory_space<vmem>>) dst(%dma_wait3A_589 : memref<2064xf32, #tpu.memory_space<hbm>>)
      } else {
      }
      %scan3A_548 = arith.constant 0 : i32
      %scan3A_549 = arith.constant 128 : i32
      %scan3A_550 = arith.addi %scan3A_548, %scan3A_549 : i32
      %scan3A_551 = arith.constant 4 : i32
      scf.for %scan3A_586 = %scan3A_548 to %scan3A_550 step %scan3A_551  : i32 {
        %mul3A_587 = arith.constant 1 : i32
        %mul3A_588 = arith.muli %scan3A_586, %mul3A_587 : i32
        %add3A_589 = arith.constant 0 : i32
        %add3A_590 = arith.addi %add3A_589, %mul3A_588 : i32
        %broadcast_in_dim3A_591 = vector.broadcast %add3A_590 : i32 to vector<16xi32>
        %gather3A_592 = tpu.vector_load_idx %arg10[%add3A_7, %broadcast_in_dim3A_591] : memref<128x128xf32, #tpu.memory_space<vmem>>[vector<16xi32>, vector<16xi32>], vector<16xf32>,
        %mul3A_593 = arith.mulf %mul3A_530, %gather3A_592 : vector<16xf32>
        %gather3A_594 = tpu.vector_load_idx %arg10[%add3A_10, %broadcast_in_dim3A_591] : memref<128x128xf32, #tpu.memory_space<vmem>>[vector<16xi32>, vector<16xi32>], vector<16xf32>,
        %mul3A_595 = arith.mulf %mul3A_531, %gather3A_594 : vector<16xf32>
        %add3A_596 = arith.addf %mul3A_593, %mul3A_595 : vector<16xf32>
        %gather3A_597 = tpu.vector_load_idx %arg10[%add3A_13, %broadcast_in_dim3A_591] : memref<128x128xf32, #tpu.memory_space<vmem>>[vector<16xi32>, vector<16xi32>], vector<16xf32>,
        %mul3A_598 = arith.mulf %mul3A_532, %gather3A_597 : vector<16xf32>
        %add3A_599 = arith.addf %add3A_596, %mul3A_598 : vector<16xf32>
        %gather3A_600 = tpu.vector_load_idx %arg10[%add3A_16, %broadcast_in_dim3A_591] : memref<128x128xf32, #tpu.memory_space<vmem>>[vector<16xi32>, vector<16xi32>], vector<16xf32>,
        %mul3A_601 = arith.mulf %mul3A_533, %gather3A_600 : vector<16xf32>
        %add3A_602 = arith.addf %add3A_599, %mul3A_601 : vector<16xf32>
        %gather3A_603 = tpu.vector_load_idx %arg10[%add3A_19, %broadcast_in_dim3A_591] : memref<128x128xf32, #tpu.memory_space<vmem>>[vector<16xi32>, vector<16xi32>], vector<16xf32>,
        %mul3A_604 = arith.mulf %mul3A_534, %gather3A_603 : vector<16xf32>
        %add3A_605 = arith.addf %add3A_602, %mul3A_604 : vector<16xf32>
        %gather3A_606 = tpu.vector_load_idx %arg10[%add3A_22, %broadcast_in_dim3A_591] : memref<128x128xf32, #tpu.memory_space<vmem>>[vector<16xi32>, vector<16xi32>], vector<16xf32>,
        %mul3A_607 = arith.mulf %mul3A_535, %gather3A_606 : vector<16xf32>
        %add3A_608 = arith.addf %add3A_605, %mul3A_607 : vector<16xf32>
        %gather3A_609 = tpu.vector_load_idx %arg10[%add3A_25, %broadcast_in_dim3A_591] : memref<128x128xf32, #tpu.memory_space<vmem>>[vector<16xi32>, vector<16xi32>], vector<16xf32>,
        %mul3A_610 = arith.mulf %mul3A_536, %gather3A_609 : vector<16xf32>
        %add3A_611 = arith.addf %add3A_608, %mul3A_610 : vector<16xf32>
        %gather3A_612 = tpu.vector_load_idx %arg10[%add3A_28, %broadcast_in_dim3A_591] : memref<128x128xf32, #tpu.memory_space<vmem>>[vector<16xi32>, vector<16xi32>], vector<16xf32>,
        %mul3A_613 = arith.mulf %mul3A_537, %gather3A_612 : vector<16xf32>
        %add3A_614 = arith.addf %add3A_611, %mul3A_613 : vector<16xf32>
        %add3A_615 = arith.addi %mul3A_31, %broadcast_in_dim3A_591 : vector<16xi32>
        tpu.vector_store_idx %arg14[%add3A_615], %add3A_614 : memref<2064xf32, #tpu.memory_space<vmem>>[vector<16xi32>], vector<16xf32>,
        %scan3A_616 = arith.constant 1 : i32
        %scan3A_617 = arith.addi %scan3A_586, %scan3A_616 : i32
        %mul3A_618 = arith.constant 1 : i32
        %mul3A_619 = arith.muli %scan3A_617, %mul3A_618 : i32
        %add3A_620 = arith.constant 0 : i32
        %add3A_621 = arith.addi %add3A_620, %mul3A_619 : i32
        %broadcast_in_dim3A_622 = vector.broadcast %add3A_621 : i32 to vector<16xi32>
        %gather3A_623 = tpu.vector_load_idx %arg10[%add3A_7, %broadcast_in_dim3A_622] : memref<128x128xf32, #tpu.memory_space<vmem>>[vector<16xi32>, vector<16xi32>], vector<16xf32>,
        %mul3A_624 = arith.mulf %mul3A_530, %gather3A_623 : vector<16xf32>
        %gather3A_625 = tpu.vector_load_idx %arg10[%add3A_10, %broadcast_in_dim3A_622] : memref<128x128xf32, #tpu.memory_space<vmem>>[vector<16xi32>, vector<16xi32>], vector<16xf32>,
        %mul3A_626 = arith.mulf %mul3A_531, %gather3A_625 : vector<16xf32>
        %add3A_627 = arith.addf %mul3A_624, %mul3A_626 : vector<16xf32>
        %gather3A_628 = tpu.vector_load_idx %arg10[%add3A_13, %broadcast_in_dim3A_622] : memref<128x128xf32, #tpu.memory_space<vmem>>[vector<16xi32>, vector<16xi32>], vector<16xf32>,
        %mul3A_629 = arith.mulf %mul3A_532, %gather3A_628 : vector<16xf32>
        %add3A_630 = arith.addf %add3A_627, %mul3A_629 : vector<16xf32>
        %gather3A_631 = tpu.vector_load_idx %arg10[%add3A_16, %broadcast_in_dim3A_622] : memref<128x128xf32, #tpu.memory_space<vmem>>[vector<16xi32>, vector<16xi32>], vector<16xf32>,
        %mul3A_632 = arith.mulf %mul3A_533, %gather3A_631 : vector<16xf32>
        %add3A_633 = arith.addf %add3A_630, %mul3A_632 : vector<16xf32>
        %gather3A_634 = tpu.vector_load_idx %arg10[%add3A_19, %broadcast_in_dim3A_622] : memref<128x128xf32, #tpu.memory_space<vmem>>[vector<16xi32>, vector<16xi32>], vector<16xf32>,
        %mul3A_635 = arith.mulf %mul3A_534, %gather3A_634 : vector<16xf32>
        %add3A_636 = arith.addf %add3A_633, %mul3A_635 : vector<16xf32>
        %gather3A_637 = tpu.vector_load_idx %arg10[%add3A_22, %broadcast_in_dim3A_622] : memref<128x128xf32, #tpu.memory_space<vmem>>[vector<16xi32>, vector<16xi32>], vector<16xf32>,
        %mul3A_638 = arith.mulf %mul3A_535, %gather3A_637 : vector<16xf32>
        %add3A_639 = arith.addf %add3A_636, %mul3A_638 : vector<16xf32>
        %gather3A_640 = tpu.vector_load_idx %arg10[%add3A_25, %broadcast_in_dim3A_622] : memref<128x128xf32, #tpu.memory_space<vmem>>[vector<16xi32>, vector<16xi32>], vector<16xf32>,
        %mul3A_641 = arith.mulf %mul3A_536, %gather3A_640 : vector<16xf32>
        %add3A_642 = arith.addf %add3A_639, %mul3A_641 : vector<16xf32>
        %gather3A_643 = tpu.vector_load_idx %arg10[%add3A_28, %broadcast_in_dim3A_622] : memref<128x128xf32, #tpu.memory_space<vmem>>[vector<16xi32>, vector<16xi32>], vector<16xf32>,
        %mul3A_644 = arith.mulf %mul3A_537, %gather3A_643 : vector<16xf32>
        %add3A_645 = arith.addf %add3A_642, %mul3A_644 : vector<16xf32>
        %add3A_646 = arith.addi %mul3A_31, %broadcast_in_dim3A_622 : vector<16xi32>
        tpu.vector_store_idx %arg14[%add3A_646], %add3A_645 : memref<2064xf32, #tpu.memory_space<vmem>>[vector<16xi32>], vector<16xf32>,
        %scan3A_647 = arith.constant 2 : i32
        %scan3A_648 = arith.addi %scan3A_586, %scan3A_647 : i32
        %mul3A_649 = arith.constant 1 : i32
        %mul3A_650 = arith.muli %scan3A_648, %mul3A_649 : i32
        %add3A_651 = arith.constant 0 : i32
        %add3A_652 = arith.addi %add3A_651, %mul3A_650 : i32
        %broadcast_in_dim3A_653 = vector.broadcast %add3A_652 : i32 to vector<16xi32>
        %gather3A_654 = tpu.vector_load_idx %arg10[%add3A_7, %broadcast_in_dim3A_653] : memref<128x128xf32, #tpu.memory_space<vmem>>[vector<16xi32>, vector<16xi32>], vector<16xf32>,
        %mul3A_655 = arith.mulf %mul3A_530, %gather3A_654 : vector<16xf32>
        %gather3A_656 = tpu.vector_load_idx %arg10[%add3A_10, %broadcast_in_dim3A_653] : memref<128x128xf32, #tpu.memory_space<vmem>>[vector<16xi32>, vector<16xi32>], vector<16xf32>,
        %mul3A_657 = arith.mulf %mul3A_531, %gather3A_656 : vector<16xf32>
        %add3A_658 = arith.addf %mul3A_655, %mul3A_657 : vector<16xf32>
        %gather3A_659 = tpu.vector_load_idx %arg10[%add3A_13, %broadcast_in_dim3A_653] : memref<128x128xf32, #tpu.memory_space<vmem>>[vector<16xi32>, vector<16xi32>], vector<16xf32>,
        %mul3A_660 = arith.mulf %mul3A_532, %gather3A_659 : vector<16xf32>
        %add3A_661 = arith.addf %add3A_658, %mul3A_660 : vector<16xf32>
        %gather3A_662 = tpu.vector_load_idx %arg10[%add3A_16, %broadcast_in_dim3A_653] : memref<128x128xf32, #tpu.memory_space<vmem>>[vector<16xi32>, vector<16xi32>], vector<16xf32>,
        %mul3A_663 = arith.mulf %mul3A_533, %gather3A_662 : vector<16xf32>
        %add3A_664 = arith.addf %add3A_661, %mul3A_663 : vector<16xf32>
        %gather3A_665 = tpu.vector_load_idx %arg10[%add3A_19, %broadcast_in_dim3A_653] : memref<128x128xf32, #tpu.memory_space<vmem>>[vector<16xi32>, vector<16xi32>], vector<16xf32>,
        %mul3A_666 = arith.mulf %mul3A_534, %gather3A_665 : vector<16xf32>
        %add3A_667 = arith.addf %add3A_664, %mul3A_666 : vector<16xf32>
        %gather3A_668 = tpu.vector_load_idx %arg10[%add3A_22, %broadcast_in_dim3A_653] : memref<128x128xf32, #tpu.memory_space<vmem>>[vector<16xi32>, vector<16xi32>], vector<16xf32>,
        %mul3A_669 = arith.mulf %mul3A_535, %gather3A_668 : vector<16xf32>
        %add3A_670 = arith.addf %add3A_667, %mul3A_669 : vector<16xf32>
        %gather3A_671 = tpu.vector_load_idx %arg10[%add3A_25, %broadcast_in_dim3A_653] : memref<128x128xf32, #tpu.memory_space<vmem>>[vector<16xi32>, vector<16xi32>], vector<16xf32>,
        %mul3A_672 = arith.mulf %mul3A_536, %gather3A_671 : vector<16xf32>
        %add3A_673 = arith.addf %add3A_670, %mul3A_672 : vector<16xf32>
        %gather3A_674 = tpu.vector_load_idx %arg10[%add3A_28, %broadcast_in_dim3A_653] : memref<128x128xf32, #tpu.memory_space<vmem>>[vector<16xi32>, vector<16xi32>], vector<16xf32>,
        %mul3A_675 = arith.mulf %mul3A_537, %gather3A_674 : vector<16xf32>
        %add3A_676 = arith.addf %add3A_673, %mul3A_675 : vector<16xf32>
        %add3A_677 = arith.addi %mul3A_31, %broadcast_in_dim3A_653 : vector<16xi32>
        tpu.vector_store_idx %arg14[%add3A_677], %add3A_676 : memref<2064xf32, #tpu.memory_space<vmem>>[vector<16xi32>], vector<16xf32>,
        %scan3A_678 = arith.constant 3 : i32
        %scan3A_679 = arith.addi %scan3A_586, %scan3A_678 : i32
        %mul3A_680 = arith.constant 1 : i32
        %mul3A_681 = arith.muli %scan3A_679, %mul3A_680 : i32
        %add3A_682 = arith.constant 0 : i32
        %add3A_683 = arith.addi %add3A_682, %mul3A_681 : i32
        %broadcast_in_dim3A_684 = vector.broadcast %add3A_683 : i32 to vector<16xi32>
        %gather3A_685 = tpu.vector_load_idx %arg10[%add3A_7, %broadcast_in_dim3A_684] : memref<128x128xf32, #tpu.memory_space<vmem>>[vector<16xi32>, vector<16xi32>], vector<16xf32>,
        %mul3A_686 = arith.mulf %mul3A_530, %gather3A_685 : vector<16xf32>
        %gather3A_687 = tpu.vector_load_idx %arg10[%add3A_10, %broadcast_in_dim3A_684] : memref<128x128xf32, #tpu.memory_space<vmem>>[vector<16xi32>, vector<16xi32>], vector<16xf32>,
        %mul3A_688 = arith.mulf %mul3A_531, %gather3A_687 : vector<16xf32>
        %add3A_689 = arith.addf %mul3A_686, %mul3A_688 : vector<16xf32>
        %gather3A_690 = tpu.vector_load_idx %arg10[%add3A_13, %broadcast_in_dim3A_684] : memref<128x128xf32, #tpu.memory_space<vmem>>[vector<16xi32>, vector<16xi32>], vector<16xf32>,
        %mul3A_691 = arith.mulf %mul3A_532, %gather3A_690 : vector<16xf32>
        %add3A_692 = arith.addf %add3A_689, %mul3A_691 : vector<16xf32>
        %gather3A_693 = tpu.vector_load_idx %arg10[%add3A_16, %broadcast_in_dim3A_684] : memref<128x128xf32, #tpu.memory_space<vmem>>[vector<16xi32>, vector<16xi32>], vector<16xf32>,
        %mul3A_694 = arith.mulf %mul3A_533, %gather3A_693 : vector<16xf32>
        %add3A_695 = arith.addf %add3A_692, %mul3A_694 : vector<16xf32>
        %gather3A_696 = tpu.vector_load_idx %arg10[%add3A_19, %broadcast_in_dim3A_684] : memref<128x128xf32, #tpu.memory_space<vmem>>[vector<16xi32>, vector<16xi32>], vector<16xf32>,
        %mul3A_697 = arith.mulf %mul3A_534, %gather3A_696 : vector<16xf32>
        %add3A_698 = arith.addf %add3A_695, %mul3A_697 : vector<16xf32>
        %gather3A_699 = tpu.vector_load_idx %arg10[%add3A_22, %broadcast_in_dim3A_684] : memref<128x128xf32, #tpu.memory_space<vmem>>[vector<16xi32>, vector<16xi32>], vector<16xf32>,
        %mul3A_700 = arith.mulf %mul3A_535, %gather3A_699 : vector<16xf32>
        %add3A_701 = arith.addf %add3A_698, %mul3A_700 : vector<16xf32>
        %gather3A_702 = tpu.vector_load_idx %arg10[%add3A_25, %broadcast_in_dim3A_684] : memref<128x128xf32, #tpu.memory_space<vmem>>[vector<16xi32>, vector<16xi32>], vector<16xf32>,
        %mul3A_703 = arith.mulf %mul3A_536, %gather3A_702 : vector<16xf32>
        %add3A_704 = arith.addf %add3A_701, %mul3A_703 : vector<16xf32>
        %gather3A_705 = tpu.vector_load_idx %arg10[%add3A_28, %broadcast_in_dim3A_684] : memref<128x128xf32, #tpu.memory_space<vmem>>[vector<16xi32>, vector<16xi32>], vector<16xf32>,
        %mul3A_706 = arith.mulf %mul3A_537, %gather3A_705 : vector<16xf32>
        %add3A_707 = arith.addf %add3A_704, %mul3A_706 : vector<16xf32>
        %add3A_708 = arith.addi %mul3A_31, %broadcast_in_dim3A_684 : vector<16xi32>
        tpu.vector_store_idx %arg14[%add3A_708], %add3A_707 : memref<2064xf32, #tpu.memory_space<vmem>>[vector<16xi32>], vector<16xf32>,
      }
      %scan3A_552 = arith.constant 128 : i32
      %gather3A_553 = tpu.vector_load_idx %arg12[%add3A_7] : memref<128xf32, #tpu.memory_space<vmem>>[vector<16xi32>], vector<16xf32>,
      %mul3A_554 = arith.mulf %mul3A_530, %gather3A_553 : vector<16xf32>
      %gather3A_555 = tpu.vector_load_idx %arg12[%add3A_10] : memref<128xf32, #tpu.memory_space<vmem>>[vector<16xi32>], vector<16xf32>,
      %mul3A_556 = arith.mulf %mul3A_531, %gather3A_555 : vector<16xf32>
      %add3A_557 = arith.addf %mul3A_554, %mul3A_556 : vector<16xf32>
      %gather3A_558 = tpu.vector_load_idx %arg12[%add3A_13] : memref<128xf32, #tpu.memory_space<vmem>>[vector<16xi32>], vector<16xf32>,
      %mul3A_559 = arith.mulf %mul3A_532, %gather3A_558 : vector<16xf32>
      %add3A_560 = arith.addf %add3A_557, %mul3A_559 : vector<16xf32>
      %gather3A_561 = tpu.vector_load_idx %arg12[%add3A_16] : memref<128xf32, #tpu.memory_space<vmem>>[vector<16xi32>], vector<16xf32>,
      %mul3A_562 = arith.mulf %mul3A_533, %gather3A_561 : vector<16xf32>
      %add3A_563 = arith.addf %add3A_560, %mul3A_562 : vector<16xf32>
      %gather3A_564 = tpu.vector_load_idx %arg12[%add3A_19] : memref<128xf32, #tpu.memory_space<vmem>>[vector<16xi32>], vector<16xf32>,
      %mul3A_565 = arith.mulf %mul3A_534, %gather3A_564 : vector<16xf32>
      %add3A_566 = arith.addf %add3A_563, %mul3A_565 : vector<16xf32>
      %gather3A_567 = tpu.vector_load_idx %arg12[%add3A_22] : memref<128xf32, #tpu.memory_space<vmem>>[vector<16xi32>], vector<16xf32>,
      %mul3A_568 = arith.mulf %mul3A_535, %gather3A_567 : vector<16xf32>
      %add3A_569 = arith.addf %add3A_566, %mul3A_568 : vector<16xf32>
      %gather3A_570 = tpu.vector_load_idx %arg12[%add3A_25] : memref<128xf32, #tpu.memory_space<vmem>>[vector<16xi32>], vector<16xf32>,
      %mul3A_571 = arith.mulf %mul3A_536, %gather3A_570 : vector<16xf32>
      %add3A_572 = arith.addf %add3A_569, %mul3A_571 : vector<16xf32>
      %gather3A_573 = tpu.vector_load_idx %arg12[%add3A_28] : memref<128xf32, #tpu.memory_space<vmem>>[vector<16xi32>], vector<16xf32>,
      %mul3A_574 = arith.mulf %mul3A_537, %gather3A_573 : vector<16xf32>
      %add3A_575 = arith.addf %add3A_572, %mul3A_574 : vector<16xf32>
      %add3A_576 = arith.constant 128 : i32
      %add3A_577 = vector.broadcast %add3A_576 : i32 to vector<16xi32>
      %add3A_578 = arith.addi %mul3A_31, %add3A_577 : vector<16xi32>
      tpu.vector_store_idx %arg14[%add3A_578], %add3A_575 : memref<2064xf32, #tpu.memory_space<vmem>>[vector<16xi32>], vector<16xf32>,
      %mul3A_579 = arith.constant 16 : i32
      %mul3A_580 = arith.muli %add3A_398, %mul3A_579 : i32
      %add3A_581 = arith.addi %mul3A_2, %mul3A_580 : i32
      %mul3A_582 = arith.constant 129 : i32
      %mul3A_583 = arith.muli %add3A_581, %mul3A_582 : i32
      %dma_start3A_584 = tpu.memref_slice %arg5[%mul3A_583] : memref<16908288xf32, #tpu.memory_space<hbm>> -> memref<2064xf32, #tpu.memory_space<hbm>>
      %dma_start3A_585 = tpu.memref_slice %arg5[%mul3A_583] : memref<16908288xf32, #tpu.memory_space<hbm>> -> memref<2064xf32, #tpu.memory_space<hbm>>
      tpu.enqueue_dma source(%arg14 : memref<2064xf32, #tpu.memory_space<vmem>>) target(%dma_start3A_585 : memref<2064xf32, #tpu.memory_space<hbm>>) target_semaphore(%arg20 : memref<!tpu.dma_semaphore, #tpu.memory_space<semaphore_mem>>)
    }
    %scan3A_197 = arith.constant 128 : i32
    %dma_wait3A = arith.constant 0 : i32
    %dma_wait3A_198 = tpu.memref_slice %arg5[%dma_wait3A] : memref<16908288xf32, #tpu.memory_space<hbm>> -> memref<2064xf32, #tpu.memory_space<hbm>>
    %dma_wait3A_199 = arith.constant 0 : i32
    %dma_wait3A_200 = tpu.memref_slice %arg5[%dma_wait3A_199] : memref<16908288xf32, #tpu.memory_space<hbm>> -> memref<2064xf32, #tpu.memory_space<hbm>>
    tpu.wait_dma2 semaphore(%arg19 : memref<!tpu.dma_semaphore, #tpu.memory_space<semaphore_mem>>) src(%arg13 : memref<2064xf32, #tpu.memory_space<vmem>>) dst(%dma_wait3A_200 : memref<2064xf32, #tpu.memory_space<hbm>>)
    %dma_wait3A_201 = arith.constant 0 : i32
    %dma_wait3A_202 = tpu.memref_slice %arg5[%dma_wait3A_201] : memref<16908288xf32, #tpu.memory_space<hbm>> -> memref<2064xf32, #tpu.memory_space<hbm>>
    %dma_wait3A_203 = arith.constant 0 : i32
    %dma_wait3A_204 = tpu.memref_slice %arg5[%dma_wait3A_203] : memref<16908288xf32, #tpu.memory_space<hbm>> -> memref<2064xf32, #tpu.memory_space<hbm>>
    tpu.wait_dma2 semaphore(%arg20 : memref<!tpu.dma_semaphore, #tpu.memory_space<semaphore_mem>>) src(%arg14 : memref<2064xf32, #tpu.memory_space<vmem>>) dst(%dma_wait3A_204 : memref<2064xf32, #tpu.memory_space<hbm>>)
    return
  }
}

</mosaic_0001>

<sc_bundles>
// kernel: _sc_sample.3.cloned.1.call-start
scs
__scs_entry_jumppad:
0x0: {  	(pc) =	sbr.rel $0x88, $3  }
0x1: {  	(tag) =	ssettag $0x0;
	lr =	simm.s32 $0x1  }
0x2: {  	[smem:$0x3F9E] =	sst lr;
	_ =	strace $0xD0000000  }
0x3: {  	_ = 	snop  }
0x4: {  	_ = 	snop  }
0x5: {  	_ = 	snop  }
0x6: {  	_ = 	snop  }
0x7: {  	_ = 	snop  }
__scs_overlays_trampoline_lowered:
0x8: {  	[smem:$0x3FAD] =	sst s0  }
0x9: {  	[smem:$0x3FAE] =	sst s1  }
0xa: {  	[smem:$0x3FAF] =	sst s2  }
0xb: {  	[smem:$0x3FB0] =	sst s3  }
0xc: {  	[smem:$0x3FB1] =	sst s4  }
0xd: {  	[smem:$0x3FB2] =	sst s5  }
0xe: {  	[smem:$0x3FB3] =	sst s6  }
0xf: {  	[smem:$0x3FB4] =	sst s7  }
0x10: {  	[smem:$0x3FB5] =	sst s8  }
0x11: {  	[smem:$0x3FB6] =	sst s9;
	s0 =	simm.s32 @!p0 $0x0  }
0x12: {  	s1 =	sld [smem:$0x3F9C];
	s0 =	simm.s32 @p0 $0x1  }
0x13: {  	[smem:$0x3FB7] =	sst s0;
	s0 =	simm.s32 @!p1 $0x0  }
0x14: {  	s2 =	sld [smem:$0x3F9B];
	s0 =	simm.s32 @p1 $0x1  }
0x15: {  	[smem:$0x3FB8] =	sst s0;
	s0 =	simm.s32 @!p2 $0x0  }
0x16: {  	s3 =	sld [smem:$0x3FDB];
	s0 =	simm.s32 @p2 $0x1  }
0x17: {  	s4 =	simm.s32 $0x1BF5;
	[smem:$0x3FBA] =	sst s0  }
0x18: {  	s0 =	sld [smem:$0x3F9D];
	_ =	swait.ge [sflag:s4], $0x0  }
0x19: {  	s7 =	sld [smem:$0x3F9E]  }
0x1a: {  	s8 =	sadd.s32 $0xFFFFE003, lr  }
0x1b: {  	s9 =	sadd.s32 $0xFFFFFEF7, lr;
	s5 =	simm.s32 $0xFFFFFFFF;
	p2 =	slt.u32 s8, $0xFFFFF086  }
0x1c: {  	p1 =	slt.u32 s9, $0xF7A;
	s5 =	simm.s32 @!p2 $0x0  }
0x1d: {  	s5 =	simm.s32 @p1 $0x1;
	p0 =	seq.s32 s7, s2  }
0x1e: {  	s7 =	smul.u32 @!p0 $0xF7A, s2;
	p2 =	seq.s32 @!p0 s5, $0x0  }
0x1f: {  	s9 =	smul.u32 $0xF7A, s1;
	s8 =	simm.s32 @!p0 $0x1BF5;
	p2 =	por !p2, p0  }
0x20: {  	[sflag:s8] =	ssyncset.s32 @!p0 $0xFFFFF086;
	s6 =	sadd.s32 @!p0 s3, s7;
	s7 =	simm.s32 @!p0 $0x108  }
0x21: {  	s3 =	sadd.s32 s3, s9;
	s6 =	sadd.s32 @!p0 $0x88, s6;
	s7 =	simm.s32 @p2 $0x1082  }
0x22: {  	[simem:s7], [sflag:s8] =	dma.local @!p0 [hbm:s6], $0xF7A  }
0x23: {  	s9 =	sor.u32 $0xD0000000, s2;
	s6 =	simm.s32 $0x108;
	_ =	swait.ge @!p0 [sflag:s8], $0x0  }
0x24: {  	s3 =	sadd.s32 $0x88, s3;
	s6 =	simm.s32 @!p1 $0x1082;
	[sflag:s4] =	ssyncset.s32 $0xFFFFF086  }
0x25: {  	[simem:s6], [sflag:s4] =	dma.local [hbm:s3], $0xF7A  }
0x26: {  	[smem:$0x3F9E] =	sst s1;
	(tag) =	ssettag s2;
	_ =	strace s9  }
0x27: {  	s1 =	sld [smem:$0x3FAE]  }
0x28: {  	s2 =	sld [smem:$0x3FAF]  }
0x29: {  	s4 =	sld [smem:$0x3FB1]  }
0x2a: {  	p0 =	seq.s32 s5, $0x0;
	s5 =	sld [smem:$0x3FB2]  }
0x2b: {  	s6 =	sld [smem:$0x3FB3]  }
0x2c: {  	s7 =	sld [smem:$0x3FB4]  }
0x2d: {  	s3 =	simm.s32 $0x108;
	s8 =	sld [smem:$0x3FB5]  }
0x2e: {  	s3 =	simm.s32 @!p0 $0x1082;
	s9 =	sld [smem:$0x3FB6]  }
0x2f: {  	lr =	sadd.s32 s0, s3;
	s0 =	sld [smem:$0x3FAD]  }
0x30: {  	s3 =	sld [smem:$0x3FB0]  }
0x31: {  	[smem:$0x3FB9] =	sst s10  }
0x32: {  	s10 =	sld [smem:$0x3FB7];
	_ =	sdelay $0x3  }
0x33: {  	p0 =	seq.s32 s10, $0x1;
	s10 =	sld [smem:$0x3FB9];
	_ =	sdelay $0x3  }
0x34: {  	[smem:$0x3FB9] =	sst s10  }
0x35: {  	s10 =	sld [smem:$0x3FB8];
	_ =	sdelay $0x3  }
0x36: {  	p1 =	seq.s32 s10, $0x1;
	s10 =	sld [smem:$0x3FB9];
	_ =	sdelay $0x3  }
0x37: {  	[smem:$0x3FB9] =	sst s10  }
0x38: {  	s10 =	sld [smem:$0x3FBA]  }
0x39: {  	_ = 	snop;
	(pc) =	sbr.ind lr, $3  }
0x3a: {  	_ = 	snop  }
0x3b: {  	_ = 	snop  }
0x3c: {  	p2 =	seq.s32 s10, $0x1;
	s10 =	sld [smem:$0x3FB9]  }
0x3d: {  	_ =	shalt  }
0x3e: {  	_ =	shalt  }
0x3f: {  	_ =	shalt  }
0x40: {  	_ =	shalt  }
0x41: {  	_ =	shalt  }
0x42: {  	_ =	shalt  }
0x43: {  	_ =	shalt  }
0x44: {  	_ =	shalt  }
0x45: {  	_ =	shalt  }
0x46: {  	_ =	shalt  }
0x47: {  	_ =	shalt  }
0x48: {  	_ =	shalt  }
0x49: {  	_ =	shalt  }
0x4a: {  	_ =	shalt  }
0x4b: {  	_ =	shalt  }
0x4c: {  	_ =	shalt  }
0x4d: {  	_ =	shalt  }
0x4e: {  	_ =	shalt  }
0x4f: {  	_ =	shalt  }
0x50: {  	_ =	shalt  }
0x51: {  	_ =	shalt  }
0x52: {  	_ =	shalt  }
0x53: {  	_ =	shalt  }
0x54: {  	_ =	shalt  }
0x55: {  	_ =	shalt  }
0x56: {  	_ =	shalt  }
0x57: {  	_ =	shalt  }
0x58: {  	_ =	shalt  }
0x59: {  	_ =	shalt  }
0x5a: {  	_ =	shalt  }
0x5b: {  	_ =	shalt  }
0x5c: {  	_ =	shalt  }
0x5d: {  	_ =	shalt  }
0x5e: {  	_ =	shalt  }
0x5f: {  	_ =	shalt  }
0x60: {  	_ =	shalt  }
0x61: {  	_ =	shalt  }
0x62: {  	_ =	shalt  }
0x63: {  	_ =	shalt  }
0x64: {  	_ =	shalt  }
0x65: {  	_ =	shalt  }
0x66: {  	_ =	shalt  }
0x67: {  	_ =	shalt  }
0x68: {  	_ =	shalt  }
0x69: {  	_ =	shalt  }
0x6a: {  	_ =	shalt  }
0x6b: {  	_ =	shalt  }
0x6c: {  	_ =	shalt  }
0x6d: {  	_ =	shalt  }
0x6e: {  	_ =	shalt  }
0x6f: {  	_ =	shalt  }
0x70: {  	_ =	shalt  }
0x71: {  	_ =	shalt  }
0x72: {  	_ =	shalt  }
0x73: {  	_ =	shalt  }
0x74: {  	_ =	shalt  }
0x75: {  	_ =	shalt  }
0x76: {  	_ =	shalt  }
0x77: {  	_ =	shalt  }
0x78: {  	_ =	shalt  }
0x79: {  	_ =	shalt  }
0x7a: {  	_ =	shalt  }
0x7b: {  	_ =	shalt  }
0x7c: {  	_ =	shalt  }
0x7d: {  	_ =	shalt  }
0x7e: {  	_ =	shalt  }
0x7f: {  	_ =	shalt  }
0x80: {  	_ =	shalt  }
0x81: {  	_ =	shalt  }
0x82: {  	_ =	shalt  }
0x83: {  	_ =	shalt  }
0x84: {  	_ =	shalt  }
0x85: {  	_ =	shalt  }
0x86: {  	_ =	shalt  }
0x87: {  	_ =	shalt  }
.Lfunc_end0:
.L_simem_size_0:
called_computation_lowered:
.L_overlay_start_0:
0x88: {  	s2 =	sld [smem:$0x3FD9]  }
0x89: {  	s3 =	sld [smem:$0x3FFE];
	_ =	sdelay $0x1  }
0x8a: {  	s1 =	srdreg.scid  }
0x8b: {  	s0 =	sand.u32 $0x1, s1  }
0x8c: {  	s18 =	sshll.u32 s0, $0xA;
	s2 =	sadd.s32 s3, s2  }
0x8d: {  	s2 =	sadd.s32 s2, s18  }
0x8e: {  	[smem:$0x3FC5] =	sst s2  }
0x8f: {  	_ = 	snop  }
0x90: {  	s2 =	sld [smem:$0x3FC9]  }
0x91: {  	s19 =	sld [smem:$0x3FC8]  }
0x92: {  	s4 =	sld [smem:$0x3FC7]  }
0x93: {  	s5 =	sld [smem:$0x3FD0];
	(tm) =	ssettm $0x1  }
0x94: {  	s6 =	sld [smem:$0x3FFB];
	_ =	sdelay $0x3  }
0x95: {  	_ =	strace s6  }
0x96: {  	s6 =	sld [smem:$0x3FFC];
	_ =	sdelay $0x3  }
0x97: {  	_ =	strace s6  }
0x98: {  	s6 =	sld [smem:$0x3FFD];
	_ =	sdelay $0x3  }
0x99: {  	_ =	strace s6  }
0x9a: {  	_ =	strace $0x8FFFFFFF  }
0x9b: {  	s20 =	sld [smem:$0x3FDB];
	_ =	sdelay $0x1  }
0x9c: {  	s7 =	simm.s32 $_scs_section_size  }
0x9d: {  	s8 =	simm.s32 $_size__tile_overlayer_lowered;
	s9 =	simm.s32 $_tile_overlayer_lowered  }
0x9e: {  	s23 =	simm.s32 $0x1BFF;
	s22 =	sshll.u32 s9, $0x1;
	s6 =	sadd.s32 s7, s20  }
0x9f: {  	s10 =	simm.s32 $0x0;
	s21 =	sshll.u32 s8, $0x1;
	s8 =	sadd.s32 s22, s6  }
0xa0: {  	[timem:s10], [sflag:s23] =	dma.local [hbm:s8], s21  }
0xa1: {  	_ =	swait.ge [sflag:s23], s21  }
0xa2: {  	s7 =	ssub.s32 $0x0, s21;
	[sflag:s23] =	ssyncset.done $0x0  }
0xa3: {  	[sflag:s23] =	ssyncadd.s32 s7;
	_ =	sdelay $0x1  }
0xa4: {  	s24 =	simm.s32 $0x1B8B  }
0xa5: {  	_ =	swait.ge [sflag:s24], $0x1  }
0xa6: {  	[sflag:s24] =	ssyncset.done $0x0  }
0xa7: {  	s25 =	simm.s32 $0x1B8E;
	[sflag:s24] =	ssyncadd.s32 $0xFFFFFFFF  }
0xa8: {  	s26 =	simm.s32 $execute0_lowered;
	[smem:$0x3FD2] =	sst s25  }
0xa9: {  	s7 =	sshll.u32 s26, $0x1;
	_ =	strace $0x80000046;
	[dreg:$0x1] =	wrdreg $0xFFFFFFFF  }
0xaa: {  	s28 =	simm.s32 $_size_execute0_lowered;
	s6 =	sadd.s32 s6, s7;
	[dreg:$0x0] =	wrdreg $0x0  }
0xab: {  	s7 =	sshll.u32 s28, $0x1;
	[dreg:$0x2] =	wrdreg s6  }
0xac: {  	[dreg:$0x3] =	wrdreg s7  }
0xad: {  	[dreg:$0x4] =	wrdreg $0xC0  }
0xae: {  	_ =	task [dreg:s10], $0x5FFFF  }
0xaf: {  	[dreg:$0x1] =	wrdreg $0xFFFFFFFF  }
0xb0: {  	[dreg:$0x0] =	wrdreg $0x60  }
0xb1: {  	[dreg:$0x2] =	wrdreg s2  }
0xb2: {  	[dreg:$0x3] =	wrdreg s19  }
0xb3: {  	[dreg:$0x4] =	wrdreg s4  }
0xb4: {  	[dreg:$0x5] =	wrdreg s5  }
0xb5: {  	[dreg:$0x6] =	wrdreg $0x9  }
0xb6: {  	_ =	task.clear_ibuf [dreg:s10], $0x7FFFF;
	_ =	strace $0x90000046  }
0xb7: {  	s29 =	simm.s32 $0x9;
	_ =	strace $0x80000048  }
0xb8: {  	_ =	swait.ge [sflag:s29], $0x1  }
0xb9: {  	[sflag:s29] =	ssyncadd.s32 $0xFFFFFFFF  }
0xba: {  	_ =	strace $0x90000048  }
0xbb: {  	_ =	sfence  }
0xbc: {  	s30 =	sld [smem:$0x0];
	_ =	sdelay $0x2  }
0xbd: {  	s31 =	sshll.u32 s1, $0xD;
	s1 =	sshrl.u32 s1, $0x2  }
0xbe: {  	s3 =	sand.u32 $0x4000, s31;
	s1 =	sadd.s32 s1, s30  }
0xbf: {  	s0 =	sor.u32 s3, s0;
	s1 =	sshll.u32 s1, $0x11  }
0xc0: {  	s0 =	sor.u32 s1, s0  }
0xc1: {  	s0 =	sadd.s32 $0x8F2B, s0  }
0xc2: {  	[sflag:s0] =	ssyncadd.remote.s32 $0x1  }
0xc3: {  	_ =	sfence.sel $0xFFFF  }
0xc4: {  	[dreg:$0x0] =	wrdreg $0xFFFFFFFF;
	(pc) =	sbr.abs _section_cstart, $3  }
0xc5: {  	[dreg:$0x1] =	wrdreg $0xFFFFFFFF  }
0xc6: {  	_ =	task.clear_ibuf [dreg:s10], $0x2FFFF;
	_ =	strace $0x9FFFFFFF  }
0xc7: {  	(tm) =	ssettm $0x7FFFFFFF  }
tec
execute0_lowered:
.L_overlay_start_1:
0x0: {  	(tag) =	ssettag $0x1  }
0x1: {  	s0 =	rddreg [dreg:$0x0]  }
0x2: {  	s1 =	rddreg [dreg:$0x1]  }
0x3: {  	s2 =	rddreg [dreg:$0x2];
	s5 =	simm.s32 $0x0  }
0x4: {  	[smem:$0x7FF] =	sst s5  }
0x5: {  	s4 =	rddreg [dreg:$0x3];
	v1 =	vimm.f32 $1.500000000e+00;
	_ =	strace $0x80000047  }
0x6: {  	s3 =	srdreg.scid;
	s6 =	stileid.u32;
	v0 =	vlaneseq.u32;
	v2 =	vimm.s32 $0x52741630;
	s9 =	simm.s32 $0x7;
	(erf) = vrcp.f32 v1  }
0x7: {  	v3 =	vimm.s32 $0x63052741;
	v4 =	vimm.s32 $0x74163052;
	s10 =	simm.s32 $0x80;
	s11 =	simm.s32 $0x3000;
	s12 =	simm.s32 $0x3100;
	v8 =	vimm.f32 $0.0e+00  }
0x8: {  	s13 =	simm.s32 $0xB100;
	s14 =	simm.s32 $0x3080;
	s15 =	simm.s32 $0x7100;
	v5 =	vunpack.c.l.s4.s8 v2;
	v6 =	vunpack.c.l.s4.s8 v3;
	v7 =	vunpack.c.l.s4.s8 v4  }
0x9: {  	s16 =	simm.s32 $0xB180;
	s17 =	simm.s32 $0x1;
	s18 =	simm.s32 $0x3;
	v4 =	vmul.u32 $0x80, v0;
	v16 =	vmul.u32 $0x81, v0;
	v17 =	vor.u32 $0x10, v0  }
0xa: {  	s19 =	simm.s32 $0xB200;
	s3 =	sand.u32 $0x1, s3;
	s6 =	sshll.u32 s6, $0x1;
	v18 =	vor.u32 $0x20, v0;
	v19 =	vor.u32 $0x30, v0;
	v21 =	vor.u32 $0x40, v0  }
0xb: {  	s20 =	simm.s32 $0x2;
	s21 =	simm.s32 $0x4;
	v22 =	vor.u32 $0x50, v0;
	v23 =	vor.u32 $0x60, v0;
	s6 =	sor.u32 s3, s6;
	v1 =	vmul.u32 $0x3, v0  }
0xc: {  	s22 =	simm.s32 $0xBA10;
	s3 =	ssub.s32 $0x2, s3;
	s7 =	smul.u32 $0x600, s6;
	v5 =	vunpack.c.0.s8.s32 v5;
	v6 =	vunpack.c.0.s8.s32 v6;
	v7 =	vunpack.c.0.s8.s32 v7  }
0xd: {  	s23 =	simm.s32 $0x5;
	s24 =	simm.s32 $0x6;
	s8 =	sshrl.u32 s3, $0x1;
	v9 =	vor.u32 $0x800, v4;
	v10 =	vor.u32 $0x1000, v4;
	v11 =	vor.u32 $0x1800, v4  }
0xe: {  	s25 =	simm.s32 $0x0;
	v12 =	vor.u32 $0x2000, v4;
	v13 =	vor.u32 $0x2800, v4;
	v14 =	vor.u32 $0x3000, v4;
	s3 =	ssub.s32 s3, s8;
	s0 =	sadd.s32 s0, s7  }
0xf: {  	s6 =	sshll.u32 s6, $0xC;
	v15 =	vor.u32 $0x3800, v4;
	v2 =	vadd.s32 $0x1, v1;
	v3 =	vadd.s32 $0x2, v1;
	s8 =	smax.u32 s3, $0x1;
	[dreg:$0x5] =	wrdreg s0;
	v20 =	vpop (erf)  }
.LBB2_1:
0x10: {  	s0 =	rddreg [dreg:$0x5]  }
0x11: {  	[tilespmem:s5], [sflag:$0x7] =	stream.linear.gather [hbm4b:s0+s5], $0x3000, $0x38;
	[tilespmem:$0xC220] =	vst v63  }
0x12: {  	_ =	swait.ge [sflag:s9], $0x3000  }
0x13: {  	[sflag:s9] =	ssyncset.done $0x0  }
0x14: {  	[sflag:s9] =	ssyncadd.s32 $0xFFFFD000  }
0x15: {  	v24 =	vld.idx.msk [tilespmem:v3+s5+$0x0], $0xffff;
	_ =	sdelay $0x1  }
0x16: {  	v25 =	vld.idx.msk [tilespmem:v2+s5+$0x0], $0xffff;
	_ =	sdelay $0x2  }
0x17: {  	v26 =	vld.idx.msk [tilespmem:v1+s5+$0x0], $0xffff;
	v24 =	vmul.f32 v24, v20;
	_ =	sdelay $0x1  }
0x18: {  	v25 =	vmul.f32 v25, v20;
	v24 =	vmax.f32 v24, $-1.000000000e+00  }
0x19: {  	v24 =	vmin.f32 v24, $1.000000000e+00  }
0x1a: {  	v25 =	vmax.f32 v25, $-1.000000000e+00;
	v24 =	vadd.f32 $1.000000000e+00, v24  }
0x1b: {  	v26 =	vmul.f32 v26, v20;
	v25 =	vmin.f32 v25, $1.000000000e+00  }
0x1c: {  	v25 =	vadd.f32 $1.000000000e+00, v25;
	v24 =	vmul.f32 $4.750000000e+01, v24  }
0x1d: {  	v26 =	vmax.f32 v26, $-1.000000000e+00  }
0x1e: {  	v26 =	vmin.f32 v26, $1.000000000e+00;
	v25 =	vmul.f32 $4.750000000e+01, v25;
	v24 =	vtrunc.f32 v24  }
0x1f: {  	v26 =	vadd.f32 $1.000000000e+00, v26;
	v24 =	vcvt.f32.s32 v24  }
0x20: {  	v25 =	vtrunc.f32 v25  }
0x21: {  	v26 =	vmul.f32 $4.750000000e+01, v26;
	v25 =	vcvt.f32.s32 v25;
	vm0 =	vlt.s32 v24, $0x5E  }
0x22: {  	v24 =	vnsel vm0, $0x5E, v24  }
0x23: {  	v26 =	vtrunc.f32 v26;
	vm14 =	vlt.s32 v25, $0x5E;
	v24 =	vmul.u32 $0x60, v24  }
0x24: {  	v26 =	vcvt.f32.s32 v26;
	v25 =	vnsel vm14, $0x5E, v25  }
0x25: {  	v24 =	vadd.s32 v25, v24  }
0x26: {  	vm15 =	vlt.s32 v26, $0x5E;
	v24 =	vmul.u32 $0x60, v24  }
0x27: {  	v58 =	vnsel vm15, $0x5E, v26  }
0x28: {  	v24 =	vadd.s32 v58, v24  }
0x29: {  	[tilespmem:$0x3000] =	vst v24;
	v25 =	vadd.s32 $0x1, v24  }
0x2a: {  	v59 =	vadd.s32 $0x60, v24;
	[tilespmem:$0x3010] =	vst v25  }
0x2b: {  	v60 =	vadd.s32 $0x61, v24;
	[tilespmem:$0x3020] =	vst v59  }
0x2c: {  	v61 =	vadd.s32 $0x2400, v24;
	[tilespmem:$0x3030] =	vst v60  }
0x2d: {  	v62 =	vadd.s32 $0x2401, v24;
	[tilespmem:$0x3040] =	vst v61  }
0x2e: {  	v63 =	vadd.s32 $0x2460, v24;
	[tilespmem:$0x3050] =	vst v62  }
0x2f: {  	v24 =	vadd.s32 $0x2461, v24;
	[tilespmem:$0x3060] =	vst v63  }
0x30: {  	[tilespmem:$0x3070] =	vst v24  }
0x31: {  	[tilespmem:s12], [sflag:$0x1] =	stream.indirect.gather [hbm4b:s1+s10], $0x80, s11, s10, $0xb8;
	[tilespmem:$0xC220] =	vst v63  }
0x32: {  	s26 =	simm.s32 $0x0  }
0x33: {  	[tilespmem:s13], [sflag:$0x3] =	stream.indirect.gather [hbm4b:s2+s10], $0x1, s11, s10, $0xb8;
	[tilespmem:$0xC220] =	vst v63  }
.LBB2_2:
0x34: {  	s28 =	sshllo.u32 s26, $0x1  }
0x35: {  	s0 =	smul.u32 $0x30, s28;
	_ =	sdelay $0x1  }
0x36: {  	v24 =	vadd.s32 s0, v3  }
0x37: {  	v24 =	vand.u32 $0x7FFFFFF8, v24  }
0x38: {  	v25 =	vadd.s32 s0, v2;
	v24 =	vor.u32 v7, v24  }
0x39: {  	v25 =	vand.u32 $0x7FFFFFF8, v25  }
0x3a: {  	v25 =	vor.u32 v6, v25  }
0x3b: {  	v26 =	vadd.s32 s0, v1  }
0x3c: {  	v26 =	vand.u32 $0x7FFFFFF8, v26  }
0x3d: {  	v26 =	vor.u32 v5, v26;
	v27 =	vld.idx.msk [tilespmem:v24+s5+$0x0], $0xffff;
	_ =	sdelay $0x1  }
0x3e: {  	v28 =	vld.idx.msk [tilespmem:v25+s5+$0x0], $0xffff;
	_ =	sdelay $0x2  }
0x3f: {  	v29 =	vld.idx.msk [tilespmem:v26+s5+$0x0], $0xffff;
	v27 =	vmul.f32 v27, v20;
	_ =	sdelay $0x1  }
0x40: {  	v28 =	vmul.f32 v28, v20;
	v27 =	vmax.f32 v27, $-1.000000000e+00  }
0x41: {  	v27 =	vmin.f32 v27, $1.000000000e+00  }
0x42: {  	v28 =	vmax.f32 v28, $-1.000000000e+00;
	v27 =	vadd.f32 $1.000000000e+00, v27  }
0x43: {  	v29 =	vmul.f32 v29, v20;
	v28 =	vmin.f32 v28, $1.000000000e+00  }
0x44: {  	v28 =	vadd.f32 $1.000000000e+00, v28;
	v27 =	vmul.f32 $4.750000000e+01, v27  }
0x45: {  	v29 =	vmax.f32 v29, $-1.000000000e+00  }
0x46: {  	v29 =	vmin.f32 v29, $1.000000000e+00;
	v28 =	vmul.f32 $4.750000000e+01, v28;
	v27 =	vtrunc.f32 v27  }
0x47: {  	v29 =	vadd.f32 $1.000000000e+00, v29;
	v27 =	vcvt.f32.s32 v27  }
0x48: {  	v28 =	vtrunc.f32 v28  }
0x49: {  	v29 =	vmul.f32 $4.750000000e+01, v29;
	v28 =	vcvt.f32.s32 v28;
	vm0 =	vlt.s32 v27, $0x5E  }
0x4a: {  	v27 =	vnsel vm0, $0x5E, v27  }
0x4b: {  	v29 =	vtrunc.f32 v29;
	vm9 =	vlt.s32 v28, $0x5E;
	v27 =	vmul.u32 $0x60, v27  }
0x4c: {  	v29 =	vcvt.f32.s32 v29;
	v28 =	vnsel vm9, $0x5E, v28  }
0x4d: {  	v27 =	vadd.s32 v28, v27  }
0x4e: {  	vm10 =	vlt.s32 v29, $0x5E;
	v27 =	vmul.u32 $0x60, v27  }
0x4f: {  	v28 =	vnsel vm10, $0x5E, v29  }
0x50: {  	v27 =	vadd.s32 v28, v27  }
0x51: {  	[tilespmem:$0x3080] =	vst v27;
	v28 =	vadd.s32 $0x1, v27  }
0x52: {  	[tilespmem:$0x3090] =	vst v28;
	v28 =	vadd.s32 $0x60, v27  }
0x53: {  	s29 =	smul.u32 $0x60, s26;
	[tilespmem:$0x30A0] =	vst v28;
	v28 =	vadd.s32 $0x61, v27  }
0x54: {  	[tilespmem:$0x30B0] =	vst v28;
	v28 =	vadd.s32 $0x2400, v27  }
0x55: {  	v30 =	vadd.s32 s29, v1;
	[tilespmem:$0x30C0] =	vst v28;
	v28 =	vadd.s32 $0x2401, v27  }
0x56: {  	v29 =	vadd.s32 $0x2460, v27;
	[tilespmem:$0x30D0] =	vst v28;
	v28 =	vand.u32 $0x7FF8, v30;
	v30 =	vadd.s32 s29, v3  }
0x57: {  	[tilespmem:$0x30E0] =	vst v29;
	v29 =	vadd.s32 s29, v2;
	v27 =	vadd.s32 $0x2461, v27;
	v30 =	vand.u32 $0x7FF8, v30  }
0x58: {  	[tilespmem:$0x30F0] =	vst v27;
	v27 =	vand.u32 $0x7FF8, v29;
	v29 =	vor.u32 v7, v30;
	_ =	sdelay $0x1  }
0x59: {  	[tilespmem:s15], [sflag:$0x2] =	stream.indirect.gather [hbm4b:s1+s10], $0x80, s14, s10, $0xb8;
	v27 =	vor.u32 v6, v27;
	[tilespmem:$0xC220] =	vst v63  }
0x5a: {  	v28 =	vor.u32 v5, v28  }
0x5b: {  	[tilespmem:s16], [sflag:$0x4] =	stream.indirect.gather [hbm4b:s2+s10], $0x1, s14, s10, $0xb8;
	[tilespmem:$0xC220] =	vst v63  }
0x5c: {  	v29 =	vld.idx.msk [tilespmem:v29+s5+$0x0], $0xffff;
	_ =	sdelay $0x1  }
0x5d: {  	v27 =	vld.idx.msk [tilespmem:v27+s5+$0x0], $0xffff  }
0x5e: {  	v28 =	vld.idx.msk [tilespmem:v28+s5+$0x0], $0xffff;
	_ =	sdelay $0x1  }
0x5f: {  	v31 =	vmul.f32 v29, v20;
	_ =	sdelay $0x1  }
0x60: {  	v32 =	vmul.f32 v27, v20;
	v31 =	vmax.f32 v31, $-1.000000000e+00  }
0x61: {  	s7 =	simm.s32 $0x0;
	v30 =	vmul.f32 v28, v20;
	v31 =	vmin.f32 v31, $1.000000000e+00  }
0x62: {  	v36 =	vmov s7;
	v32 =	vmax.f32 v32, $-1.000000000e+00;
	v31 =	vadd.f32 $1.000000000e+00, v31  }
0x63: {  	v53 =	vand.u32 $0x7C, v36;
	v30 =	vmax.f32 v30, $-1.000000000e+00;
	v32 =	vmin.f32 v32, $1.000000000e+00  }
0x64: {  	v30 =	vmin.f32 v30, $1.000000000e+00;
	v32 =	vadd.f32 $1.000000000e+00, v32;
	v31 =	vmul.f32 $4.750000000e+01, v31  }
0x65: {  	v54 =	vor.u32 v10, v53;
	v30 =	vadd.f32 $1.000000000e+00, v30  }
0x66: {  	v28 =	vand.u32 $0x7FFFFFFF, v28;
	v32 =	vmul.f32 $4.750000000e+01, v32;
	v34 =	vtrunc.f32 v31  }
0x67: {  	v27 =	vand.u32 $0x7FFFFFFF, v27;
	v30 =	vmul.f32 $4.750000000e+01, v30;
	v34 =	vcvt.f32.s32 v34  }
0x68: {  	_ =	swait.ge [sflag:s17], $0x4000;
	vm13 =	vlt.f32 v28, $1.500000000e+00;
	v28 =	vor.u32 v4, v53;
	v35 =	vtrunc.f32 v32  }
0x69: {  	[sflag:s17] =	ssyncset.done $0x0;
	v33 =	vtrunc.f32 v30;
	v35 =	vcvt.f32.s32 v35;
	vm11 =	vlt.s32 v34, $0x5E  }
0x6a: {  	[sflag:s17] =	ssyncadd.s32 $0xFFFFC000;
	vm14 =	vlt.f32 v27, $1.500000000e+00;
	v33 =	vcvt.f32.s32 v33;
	v34 =	vnsel vm11, $0x5E, v34  }
0x6b: {  	_ =	swait.ge [sflag:s18], $0x80;
	v27 =	vand.u32 $0x7FFFFFFF, v29;
	vm12 =	vlt.s32 v35, $0x5E;
	v34 =	vcvt.s32.f32 v34  }
0x6c: {  	p0 =	seq.s32 s26, $0x0;
	[sflag:s18] =	ssyncset.done $0x0;
	v29 =	vor.u32 v9, v53;
	vm1 =	vlt.s32 v33, $0x5E;
	v35 =	vnsel vm12, $0x5E, v35  }
0x6d: {  	s3 =	simm.s32 @!p0 $0x5;
	[sflag:s18] =	ssyncadd.s32 $0xFFFFFF80;
	v33 =	vnsel vm1, $0x5E, v33;
	v35 =	vcvt.s32.f32 v35;
	v31 =	vsub.f32 v31, v34  }
0x6e: {  	vm0 =	vmand vm13, vm14;
	vm15 =	vlt.f32 v27, $1.500000000e+00;
	_ =	swait.ge @!p0 [sflag:s3], $0x810;
	v33 =	vcvt.s32.f32 v33  }
0x6f: {  	vm0 =	vmand vm0, vm15;
	[sflag:s3] =	ssyncset.done @!p0 $0x0;
	v32 =	vsub.f32 v32, v35;
	v27 =	vsub.f32 $1.000000000e+00, v31  }
0x70: {  	[sflag:s3] =	ssyncadd.s32 @!p0 $0xFFFFF7F0;
	v33 =	vsub.f32 v30, v33;
	v30 =	vsel vm0, $0x3F800000, v8  }
0x71: {  	v38 =	vor.u32 v11, v53;
	v37 =	vld.idx.msk [tilespmem:v28+s12+$0x0], $0xffff;
	v55 =	vsub.f32 $1.000000000e+00, v32;
	v27 =	vmul.f32 v27, v30  }
0x72: {  	v39 =	vld.idx.msk [tilespmem:v29+s12+$0x0], $0xffff  }
0x73: {  	v41 =	vor.u32 v12, v53;
	v40 =	vsub.f32 $1.000000000e+00, v33;
	v28 =	vmul.f32 v27, v55  }
0x74: {  	v35 =	vld.idx.msk [tilespmem:v54+s12+$0x0], $0xffff;
	v42 =	vmul.f32 v27, v32  }
0x75: {  	v43 =	vor.u32 v13, v53;
	v27 =	vmul.f32 v28, v40;
	v28 =	vmul.f32 v28, v33  }
0x76: {  	v38 =	vld.idx.msk [tilespmem:v38+s12+$0x0], $0xffff;
	v44 =	vmul.f32 v31, v30;
	v29 =	vmul.f32 v42, v40  }
0x77: {  	v45 =	vor.u32 v14, v53;
	v31 =	vmul.f32 v37, v27;
	v56 =	vmul.f32 v39, v28  }
0x78: {  	v57 =	vld.idx.msk [tilespmem:v41+s12+$0x0], $0xffff;
	v34 =	vor.u32 v15, v53;
	v36 =	vmul.f32 v44, v55  }
0x79: {  	v30 =	vmul.f32 v42, v33;
	v35 =	vmul.f32 v35, v29;
	v37 =	vadd.f32 v56, v31  }
0x7a: {  	v58 =	vld.idx.msk [tilespmem:v43+s12+$0x0], $0xffff  }
0x7b: {  	v59 =	vmul.f32 v38, v30;
	v31 =	vmul.f32 v36, v40;
	v35 =	vadd.f32 v35, v37  }
0x7c: {  	v61 =	vld.idx.msk [tilespmem:v45+s12+$0x0], $0xffff;
	v60 =	vmul.f32 v44, v32  }
0x7d: {  	v32 =	vmul.f32 v36, v33;
	v62 =	vmul.f32 v57, v31;
	v35 =	vadd.f32 v59, v35  }
0x7e: {  	v63 =	vld.idx.msk [tilespmem:v34+s12+$0x0], $0xffff  }
0x7f: {  	s3 =	simm.s32 $0x1;
	v34 =	vmul.f32 v60, v40;
	v41 =	vmul.f32 v58, v32;
	v35 =	vadd.f32 v62, v35  }
0x80: {  	v44 =	vmov s3  }
0x81: {  	v33 =	vmul.f32 v60, v33;
	v43 =	vmul.f32 v61, v34;
	v35 =	vadd.f32 v41, v35  }
0x82: {  	v45 =	vadd.s32 s7, v16;
	v38 =	vand.u32 $0x7D, v44  }
0x83: {  	v46 =	vmul.f32 v63, v33;
	v47 =	vor.u32 v4, v38;
	v35 =	vadd.f32 v43, v35  }
0x84: {  	v48 =	vor.u32 v9, v38  }
0x85: {  	v35 =	vadd.f32 v46, v35  }
0x86: {  	v49 =	vor.u32 v10, v38  }
0x87: {  	[tilespmem:v45+s19+$0x0] =	vst.idx.msk $0xffff, v35  }
0x88: {  	v50 =	vor.u32 v11, v38;
	v35 =	vld.idx.msk [tilespmem:v47+s12+$0x0], $0xffff  }
0x89: {  	v39 =	vld.idx.msk [tilespmem:v48+s12+$0x0], $0xffff  }
0x8a: {  	v51 =	vor.u32 v12, v38  }
0x8b: {  	v36 =	vld.idx.msk [tilespmem:v49+s12+$0x0], $0xffff  }
0x8c: {  	v52 =	vor.u32 v13, v38  }
0x8d: {  	v37 =	vld.idx.msk [tilespmem:v50+s12+$0x0], $0xffff  }
0x8e: {  	v53 =	vor.u32 v14, v38;
	v35 =	vmul.f32 v35, v27;
	v39 =	vmul.f32 v39, v28  }
0x8f: {  	v40 =	vld.idx.msk [tilespmem:v51+s12+$0x0], $0xffff  }
0x90: {  	v38 =	vor.u32 v15, v38;
	v36 =	vmul.f32 v36, v29;
	v35 =	vadd.f32 v39, v35  }
0x91: {  	v54 =	vld.idx.msk [tilespmem:v52+s12+$0x0], $0xffff  }
0x92: {  	v55 =	vmul.f32 v37, v30;
	v35 =	vadd.f32 v36, v35  }
0x93: {  	v56 =	vld.idx.msk [tilespmem:v53+s12+$0x0], $0xffff  }
0x94: {  	v57 =	vmul.f32 v40, v31;
	v35 =	vadd.f32 v55, v35  }
0x95: {  	v38 =	vld.idx.msk [tilespmem:v38+s12+$0x0], $0xffff  }
0x96: {  	v58 =	vmul.f32 v54, v32;
	v35 =	vadd.f32 v57, v35  }
0x97: {  	s7 =	simm.s32 $0x2  }
0x98: {  	v60 =	vmov s7;
	v59 =	vmul.f32 v56, v34;
	v35 =	vadd.f32 v58, v35  }
0x99: {  	v61 =	vadd.s32 s3, v16;
	v37 =	vand.u32 $0x7E, v60  }
0x9a: {  	v62 =	vmul.f32 v38, v33;
	v63 =	vor.u32 v4, v37;
	v35 =	vadd.f32 v59, v35  }
0x9b: {  	v44 =	vor.u32 v9, v37  }
0x9c: {  	v35 =	vadd.f32 v62, v35  }
0x9d: {  	v45 =	vor.u32 v10, v37  }
0x9e: {  	[tilespmem:v61+s19+$0x0] =	vst.idx.msk $0xffff, v35  }
0x9f: {  	v46 =	vor.u32 v11, v37;
	v35 =	vld.idx.msk [tilespmem:v63+s12+$0x0], $0xffff  }
0xa0: {  	v39 =	vld.idx.msk [tilespmem:v44+s12+$0x0], $0xffff  }
0xa1: {  	v47 =	vor.u32 v12, v37  }
0xa2: {  	v36 =	vld.idx.msk [tilespmem:v45+s12+$0x0], $0xffff  }
0xa3: {  	v48 =	vor.u32 v13, v37  }
0xa4: {  	v38 =	vld.idx.msk [tilespmem:v46+s12+$0x0], $0xffff  }
0xa5: {  	v49 =	vor.u32 v14, v37;
	v35 =	vmul.f32 v35, v27;
	v39 =	vmul.f32 v39, v28  }
0xa6: {  	v40 =	vld.idx.msk [tilespmem:v47+s12+$0x0], $0xffff  }
0xa7: {  	v37 =	vor.u32 v15, v37;
	v36 =	vmul.f32 v36, v29;
	v35 =	vadd.f32 v39, v35  }
0xa8: {  	v50 =	vld.idx.msk [tilespmem:v48+s12+$0x0], $0xffff  }
0xa9: {  	v51 =	vmul.f32 v38, v30;
	v35 =	vadd.f32 v36, v35  }
0xaa: {  	v52 =	vld.idx.msk [tilespmem:v49+s12+$0x0], $0xffff  }
0xab: {  	v53 =	vmul.f32 v40, v31;
	v35 =	vadd.f32 v51, v35  }
0xac: {  	v37 =	vld.idx.msk [tilespmem:v37+s12+$0x0], $0xffff  }
0xad: {  	v54 =	vmul.f32 v50, v32;
	v35 =	vadd.f32 v53, v35  }
0xae: {  	s3 =	simm.s32 $0x3  }
0xaf: {  	v56 =	vmov s3;
	v55 =	vmul.f32 v52, v34;
	v35 =	vadd.f32 v54, v35  }
0xb0: {  	v57 =	vadd.s32 s7, v16;
	v58 =	vand.u32 $0x7F, v56  }
0xb1: {  	v60 =	vor.u32 v4, v58;
	v59 =	vmul.f32 v37, v33;
	v35 =	vadd.f32 v55, v35  }
0xb2: {  	v38 =	vor.u32 v9, v58  }
0xb3: {  	v61 =	vor.u32 v10, v58;
	v35 =	vadd.f32 v59, v35  }
0xb4: {  	v62 =	vor.u32 v11, v58  }
0xb5: {  	v43 =	vor.u32 v12, v58;
	[tilespmem:v57+s19+$0x0] =	vst.idx.msk $0xffff, v35  }
0xb6: {  	v39 =	vor.u32 v13, v58;
	v36 =	vld.idx.msk [tilespmem:v60+s12+$0x0], $0xffff  }
0xb7: {  	s30 =	simm.s32 $0x4;
	v41 =	vor.u32 v14, v58;
	v37 =	vld.idx.msk [tilespmem:v38+s12+$0x0], $0xffff  }
0xb8: {  	v63 =	vmov s30;
	v40 =	vor.u32 v15, v58;
	v38 =	vld.idx.msk [tilespmem:v61+s12+$0x0], $0xffff  }
0xb9: {  	s31 =	simm.s32 $0x8;
	v35 =	vand.u32 $0x7C, v63;
	v42 =	vld.idx.msk [tilespmem:v62+s12+$0x0], $0xffff  }
.LBB2_3:
0xba: {  	p1 =	slt.u32 s31, $0x7C;
	v44 =	vor.u32 v4, v35;
	v45 =	vor.u32 v9, v35;
	v43 =	vld.idx.msk [tilespmem:v43+s12+$0x0], $0xffff;
	s0 =	smov.u32 s31;
	s31 =	sadd.s32 $0x4, s31  }
0xbb: {  	v39 =	vld.idx.msk [tilespmem:v39+s12+$0x0], $0xffff  }
0xbc: {  	v36 =	vmul.f32 v36, v27;
	v41 =	vld.idx.msk [tilespmem:v41+s12+$0x0], $0xffff  }
0xbd: {  	v37 =	vmul.f32 v37, v28;
	v40 =	vld.idx.msk [tilespmem:v40+s12+$0x0], $0xffff;
	_ =	sdelay $0x1  }
0xbe: {  	v36 =	vadd.f32 v37, v36;
	v37 =	vmul.f32 v38, v29;
	_ =	sdelay $0x1  }
0xbf: {  	v36 =	vadd.f32 v37, v36;
	v37 =	vmul.f32 v42, v30;
	_ =	sdelay $0x1  }
0xc0: {  	v36 =	vadd.f32 v37, v36;
	v37 =	vmul.f32 v43, v31;
	_ =	sdelay $0x1  }
0xc1: {  	v36 =	vadd.f32 v37, v36;
	v37 =	vmul.f32 v39, v32;
	_ =	sdelay $0x1  }
0xc2: {  	v36 =	vadd.f32 v37, v36;
	v37 =	vmul.f32 v41, v34  }
0xc3: {  	v38 =	vadd.s32 s3, v16  }
0xc4: {  	v36 =	vadd.f32 v37, v36;
	v37 =	vmul.f32 v40, v33;
	_ =	sdelay $0x1  }
0xc5: {  	v36 =	vadd.f32 v37, v36  }
0xc6: {  	v37 =	vor.u32 v10, v35  }
0xc7: {  	[tilespmem:v38+s19+$0x0] =	vst.idx.msk $0xffff, v36  }
0xc8: {  	v38 =	vor.u32 v11, v35;
	v36 =	vld.idx.msk [tilespmem:v44+s12+$0x0], $0xffff  }
0xc9: {  	v39 =	vld.idx.msk [tilespmem:v45+s12+$0x0], $0xffff  }
0xca: {  	v40 =	vor.u32 v12, v35  }
0xcb: {  	v37 =	vld.idx.msk [tilespmem:v37+s12+$0x0], $0xffff  }
0xcc: {  	v41 =	vor.u32 v13, v35  }
0xcd: {  	v38 =	vld.idx.msk [tilespmem:v38+s12+$0x0], $0xffff  }
0xce: {  	v42 =	vor.u32 v14, v35  }
0xcf: {  	v36 =	vmul.f32 v36, v27;
	v39 =	vmul.f32 v39, v28;
	v40 =	vld.idx.msk [tilespmem:v40+s12+$0x0], $0xffff  }
0xd0: {  	v35 =	vor.u32 v15, v35  }
0xd1: {  	v36 =	vadd.f32 v39, v36;
	v37 =	vmul.f32 v37, v29;
	v39 =	vld.idx.msk [tilespmem:v41+s12+$0x0], $0xffff;
	_ =	sdelay $0x1  }
0xd2: {  	v36 =	vadd.f32 v37, v36;
	v37 =	vmul.f32 v38, v30;
	v38 =	vld.idx.msk [tilespmem:v42+s12+$0x0], $0xffff;
	_ =	sdelay $0x1  }
0xd3: {  	v36 =	vadd.f32 v37, v36;
	v37 =	vmul.f32 v40, v31;
	v35 =	vld.idx.msk [tilespmem:v35+s12+$0x0], $0xffff;
	_ =	sdelay $0x1  }
0xd4: {  	v36 =	vadd.f32 v37, v36;
	v37 =	vmul.f32 v39, v32  }
0xd5: {  	s3 =	sadd.s32 $0x1, s30  }
0xd6: {  	v36 =	vadd.f32 v37, v36;
	v37 =	vmul.f32 v38, v34;
	v38 =	vmov s3  }
0xd7: {  	v39 =	vadd.s32 s30, v16;
	v38 =	vand.u32 $0x7D, v38  }
0xd8: {  	v36 =	vadd.f32 v37, v36;
	v35 =	vmul.f32 v35, v33;
	v37 =	vor.u32 v4, v38  }
0xd9: {  	v40 =	vor.u32 v9, v38  }
0xda: {  	v35 =	vadd.f32 v35, v36  }
0xdb: {  	v36 =	vor.u32 v10, v38  }
0xdc: {  	[tilespmem:v39+s19+$0x0] =	vst.idx.msk $0xffff, v35  }
0xdd: {  	v35 =	vld.idx.msk [tilespmem:v37+s12+$0x0], $0xffff;
	v37 =	vor.u32 v11, v38  }
0xde: {  	v39 =	vld.idx.msk [tilespmem:v40+s12+$0x0], $0xffff  }
0xdf: {  	v40 =	vor.u32 v12, v38  }
0xe0: {  	v36 =	vld.idx.msk [tilespmem:v36+s12+$0x0], $0xffff  }
0xe1: {  	v41 =	vor.u32 v13, v38  }
0xe2: {  	v37 =	vld.idx.msk [tilespmem:v37+s12+$0x0], $0xffff  }
0xe3: {  	v42 =	vor.u32 v14, v38;
	v35 =	vmul.f32 v35, v27  }
0xe4: {  	v39 =	vmul.f32 v39, v28;
	v40 =	vld.idx.msk [tilespmem:v40+s12+$0x0], $0xffff  }
0xe5: {  	v38 =	vor.u32 v15, v38  }
0xe6: {  	v35 =	vadd.f32 v39, v35;
	v36 =	vmul.f32 v36, v29;
	v39 =	vld.idx.msk [tilespmem:v41+s12+$0x0], $0xffff;
	_ =	sdelay $0x1  }
0xe7: {  	v35 =	vadd.f32 v36, v35;
	v36 =	vmul.f32 v37, v30;
	v37 =	vld.idx.msk [tilespmem:v42+s12+$0x0], $0xffff;
	_ =	sdelay $0x1  }
0xe8: {  	v35 =	vadd.f32 v36, v35;
	v36 =	vmul.f32 v40, v31;
	v38 =	vld.idx.msk [tilespmem:v38+s12+$0x0], $0xffff;
	_ =	sdelay $0x1  }
0xe9: {  	v35 =	vadd.f32 v36, v35;
	v36 =	vmul.f32 v39, v32  }
0xea: {  	s7 =	sadd.s32 $0x2, s30  }
0xeb: {  	v35 =	vadd.f32 v36, v35;
	v36 =	vmul.f32 v37, v34;
	v37 =	vmov s7  }
0xec: {  	v39 =	vadd.s32 s3, v16;
	v37 =	vand.u32 $0x7E, v37  }
0xed: {  	v35 =	vadd.f32 v36, v35;
	v36 =	vmul.f32 v38, v33;
	v38 =	vor.u32 v4, v37  }
0xee: {  	v40 =	vor.u32 v9, v37  }
0xef: {  	v35 =	vadd.f32 v36, v35  }
0xf0: {  	v36 =	vor.u32 v10, v37  }
0xf1: {  	[tilespmem:v39+s19+$0x0] =	vst.idx.msk $0xffff, v35  }
0xf2: {  	v35 =	vld.idx.msk [tilespmem:v38+s12+$0x0], $0xffff;
	v38 =	vor.u32 v11, v37  }
0xf3: {  	v39 =	vld.idx.msk [tilespmem:v40+s12+$0x0], $0xffff  }
0xf4: {  	v40 =	vor.u32 v12, v37  }
0xf5: {  	v36 =	vld.idx.msk [tilespmem:v36+s12+$0x0], $0xffff  }
0xf6: {  	v41 =	vor.u32 v13, v37  }
0xf7: {  	v38 =	vld.idx.msk [tilespmem:v38+s12+$0x0], $0xffff  }
0xf8: {  	v42 =	vor.u32 v14, v37  }
0xf9: {  	v35 =	vmul.f32 v35, v27;
	v39 =	vmul.f32 v39, v28;
	v40 =	vld.idx.msk [tilespmem:v40+s12+$0x0], $0xffff  }
0xfa: {  	v37 =	vor.u32 v15, v37  }
0xfb: {  	v35 =	vadd.f32 v39, v35;
	v36 =	vmul.f32 v36, v29;
	v39 =	vld.idx.msk [tilespmem:v41+s12+$0x0], $0xffff;
	_ =	sdelay $0x1  }
0xfc: {  	v35 =	vadd.f32 v36, v35;
	v36 =	vmul.f32 v38, v30;
	v38 =	vld.idx.msk [tilespmem:v42+s12+$0x0], $0xffff;
	_ =	sdelay $0x1  }
0xfd: {  	v35 =	vadd.f32 v36, v35;
	v36 =	vmul.f32 v40, v31;
	v37 =	vld.idx.msk [tilespmem:v37+s12+$0x0], $0xffff;
	_ =	sdelay $0x1  }
0xfe: {  	v35 =	vadd.f32 v36, v35;
	v36 =	vmul.f32 v39, v32  }
0xff: {  	s3 =	sadd.s32 $0x3, s30;
	s30 =	smov.u32 s0  }
0x100: {  	v35 =	vadd.f32 v36, v35;
	v36 =	vmul.f32 v38, v34;
	v38 =	vmov s3  }
0x101: {  	v39 =	vadd.s32 s7, v16;
	v40 =	vand.u32 $0x7F, v38  }
0x102: {  	v35 =	vadd.f32 v36, v35;
	v36 =	vmul.f32 v37, v33;
	v37 =	vor.u32 v4, v40  }
0x103: {  	v38 =	vor.u32 v9, v40  }
0x104: {  	v42 =	vor.u32 v10, v40;
	v35 =	vadd.f32 v36, v35  }
0x105: {  	v44 =	vor.u32 v11, v40  }
.Ltmp0:
0x106: {  	v43 =	vor.u32 v12, v40;
	[tilespmem:v39+s19+$0x0] =	vst.idx.msk $0xffff, v35;
	(pc) =	sbr.rel @p1 .LBB2_3-.Ltmp0, $4  }
0x107: {  	v39 =	vor.u32 v13, v40;
	v36 =	vld.idx.msk [tilespmem:v37+s12+$0x0], $0xffff  }
0x108: {  	v41 =	vor.u32 v14, v40;
	v37 =	vld.idx.msk [tilespmem:v38+s12+$0x0], $0xffff  }
0x109: {  	v35 =	vmov s30;
	v40 =	vor.u32 v15, v40;
	v38 =	vld.idx.msk [tilespmem:v42+s12+$0x0], $0xffff  }
0x10a: {  	v35 =	vand.u32 $0x7C, v35;
	v42 =	vld.idx.msk [tilespmem:v44+s12+$0x0], $0xffff  }
0x10b: {  	_ =	sdelay $0x2  }
0x10c: {  	v36 =	vmul.f32 v36, v27;
	v37 =	vmul.f32 v37, v28  }
0x10d: {  	v43 =	vld.idx.msk [tilespmem:v43+s12+$0x0], $0xffff  }
0x10e: {  	v50 =	vmul.f32 v38, v29;
	v36 =	vadd.f32 v37, v36  }
0x10f: {  	v51 =	vld.idx.msk [tilespmem:v39+s12+$0x0], $0xffff  }
0x110: {  	v52 =	vmul.f32 v42, v30;
	v36 =	vadd.f32 v50, v36  }
0x111: {  	v53 =	vld.idx.msk [tilespmem:v41+s12+$0x0], $0xffff  }
0x112: {  	v54 =	vmul.f32 v43, v31;
	v36 =	vadd.f32 v52, v36  }
0x113: {  	v40 =	vld.idx.msk [tilespmem:v40+s12+$0x0], $0xffff  }
0x114: {  	v55 =	vmul.f32 v51, v32;
	v36 =	vadd.f32 v54, v36;
	_ =	sdelay $0x1  }
0x115: {  	v56 =	vmul.f32 v53, v34;
	v36 =	vadd.f32 v55, v36  }
0x116: {  	v57 =	vadd.s32 s3, v16  }
0x117: {  	v58 =	vor.u32 v4, v35;
	v59 =	vmul.f32 v40, v33;
	v36 =	vadd.f32 v56, v36  }
0x118: {  	v60 =	vor.u32 v9, v35  }
0x119: {  	v36 =	vadd.f32 v59, v36  }
0x11a: {  	v61 =	vor.u32 v10, v35  }
0x11b: {  	[tilespmem:v57+s19+$0x0] =	vst.idx.msk $0xffff, v36  }
0x11c: {  	v62 =	vor.u32 v11, v35;
	v36 =	vld.idx.msk [tilespmem:v58+s12+$0x0], $0xffff  }
0x11d: {  	v63 =	vld.idx.msk [tilespmem:v60+s12+$0x0], $0xffff  }
0x11e: {  	v45 =	vor.u32 v12, v35  }
0x11f: {  	v37 =	vld.idx.msk [tilespmem:v61+s12+$0x0], $0xffff  }
0x120: {  	v46 =	vor.u32 v13, v35  }
0x121: {  	v38 =	vld.idx.msk [tilespmem:v62+s12+$0x0], $0xffff  }
0x122: {  	v47 =	vor.u32 v14, v35;
	v36 =	vmul.f32 v36, v27;
	v39 =	vmul.f32 v63, v28  }
0x123: {  	v40 =	vld.idx.msk [tilespmem:v45+s12+$0x0], $0xffff  }
0x124: {  	v48 =	vor.u32 v15, v35;
	v37 =	vmul.f32 v37, v29;
	v36 =	vadd.f32 v39, v36  }
0x125: {  	v49 =	vld.idx.msk [tilespmem:v46+s12+$0x0], $0xffff  }
0x126: {  	v50 =	vmul.f32 v38, v30;
	v36 =	vadd.f32 v37, v36  }
0x127: {  	v51 =	vld.idx.msk [tilespmem:v47+s12+$0x0], $0xffff  }
0x128: {  	v52 =	vmul.f32 v40, v31;
	v36 =	vadd.f32 v50, v36  }
0x129: {  	v35 =	vld.idx.msk [tilespmem:v48+s12+$0x0], $0xffff  }
0x12a: {  	v53 =	vmul.f32 v49, v32;
	v36 =	vadd.f32 v52, v36  }
0x12b: {  	s0 =	sadd.s32 $0x1, s30  }
0x12c: {  	v55 =	vmov s0;
	v54 =	vmul.f32 v51, v34;
	v36 =	vadd.f32 v53, v36  }
0x12d: {  	v56 =	vadd.s32 s30, v16;
	v38 =	vand.u32 $0x7D, v55  }
0x12e: {  	v35 =	vmul.f32 v35, v33;
	v57 =	vor.u32 v4, v38;
	v36 =	vadd.f32 v54, v36  }
0x12f: {  	v58 =	vor.u32 v9, v38  }
0x130: {  	v35 =	vadd.f32 v35, v36  }
0x131: {  	v59 =	vor.u32 v10, v38  }
0x132: {  	[tilespmem:v56+s19+$0x0] =	vst.idx.msk $0xffff, v35  }
0x133: {  	v60 =	vor.u32 v11, v38;
	v35 =	vld.idx.msk [tilespmem:v57+s12+$0x0], $0xffff  }
0x134: {  	v39 =	vld.idx.msk [tilespmem:v58+s12+$0x0], $0xffff  }
0x135: {  	v61 =	vor.u32 v12, v38  }
0x136: {  	v36 =	vld.idx.msk [tilespmem:v59+s12+$0x0], $0xffff  }
0x137: {  	v62 =	vor.u32 v13, v38  }
0x138: {  	v37 =	vld.idx.msk [tilespmem:v60+s12+$0x0], $0xffff  }
0x139: {  	v63 =	vor.u32 v14, v38;
	v35 =	vmul.f32 v35, v27;
	v39 =	vmul.f32 v39, v28  }
0x13a: {  	v40 =	vld.idx.msk [tilespmem:v61+s12+$0x0], $0xffff  }
0x13b: {  	v38 =	vor.u32 v15, v38;
	v36 =	vmul.f32 v36, v29;
	v35 =	vadd.f32 v39, v35  }
0x13c: {  	v45 =	vld.idx.msk [tilespmem:v62+s12+$0x0], $0xffff  }
0x13d: {  	v46 =	vmul.f32 v37, v30;
	v35 =	vadd.f32 v36, v35  }
0x13e: {  	v47 =	vld.idx.msk [tilespmem:v63+s12+$0x0], $0xffff  }
0x13f: {  	v48 =	vmul.f32 v40, v31;
	v35 =	vadd.f32 v46, v35  }
0x140: {  	v38 =	vld.idx.msk [tilespmem:v38+s12+$0x0], $0xffff  }
0x141: {  	v49 =	vmul.f32 v45, v32;
	v35 =	vadd.f32 v48, v35  }
0x142: {  	s7 =	sadd.s32 $0x2, s30  }
0x143: {  	v51 =	vmov s7;
	v50 =	vmul.f32 v47, v34;
	v35 =	vadd.f32 v49, v35  }
0x144: {  	v52 =	vadd.s32 s0, v16;
	v37 =	vand.u32 $0x7E, v51  }
0x145: {  	v53 =	vmul.f32 v38, v33;
	v54 =	vor.u32 v4, v37;
	v35 =	vadd.f32 v50, v35  }
0x146: {  	v55 =	vor.u32 v9, v37  }
0x147: {  	v35 =	vadd.f32 v53, v35  }
0x148: {  	v56 =	vor.u32 v10, v37  }
0x149: {  	[tilespmem:v52+s19+$0x0] =	vst.idx.msk $0xffff, v35  }
0x14a: {  	v57 =	vor.u32 v11, v37;
	v35 =	vld.idx.msk [tilespmem:v54+s12+$0x0], $0xffff  }
0x14b: {  	v39 =	vld.idx.msk [tilespmem:v55+s12+$0x0], $0xffff  }
0x14c: {  	v58 =	vor.u32 v12, v37  }
0x14d: {  	v36 =	vld.idx.msk [tilespmem:v56+s12+$0x0], $0xffff  }
0x14e: {  	v59 =	vor.u32 v13, v37  }
0x14f: {  	v38 =	vld.idx.msk [tilespmem:v57+s12+$0x0], $0xffff  }
0x150: {  	v60 =	vor.u32 v14, v37;
	v35 =	vmul.f32 v35, v27;
	v39 =	vmul.f32 v39, v28  }
0x151: {  	v40 =	vld.idx.msk [tilespmem:v58+s12+$0x0], $0xffff  }
0x152: {  	v37 =	vor.u32 v15, v37;
	v36 =	vmul.f32 v36, v29;
	v35 =	vadd.f32 v39, v35  }
0x153: {  	v61 =	vld.idx.msk [tilespmem:v59+s12+$0x0], $0xffff  }
0x154: {  	v62 =	vmul.f32 v38, v30;
	v35 =	vadd.f32 v36, v35  }
0x155: {  	v63 =	vld.idx.msk [tilespmem:v60+s12+$0x0], $0xffff  }
0x156: {  	v40 =	vmul.f32 v40, v31;
	v35 =	vadd.f32 v62, v35  }
0x157: {  	v37 =	vld.idx.msk [tilespmem:v37+s12+$0x0], $0xffff  }
0x158: {  	v41 =	vmul.f32 v61, v32;
	v35 =	vadd.f32 v40, v35  }
0x159: {  	s30 =	sadd.s32 $0x3, s30  }
0x15a: {  	v43 =	vmov s30;
	v42 =	vmul.f32 v63, v34;
	v35 =	vadd.f32 v41, v35  }
0x15b: {  	v44 =	vadd.s32 s7, v16;
	v38 =	vand.u32 $0x7F, v43  }
0x15c: {  	v45 =	vmul.f32 v37, v33;
	v46 =	vor.u32 v4, v38;
	v35 =	vadd.f32 v42, v35  }
0x15d: {  	v47 =	vor.u32 v9, v38  }
0x15e: {  	v35 =	vadd.f32 v45, v35  }
0x15f: {  	v48 =	vor.u32 v10, v38  }
0x160: {  	[tilespmem:v44+s19+$0x0] =	vst.idx.msk $0xffff, v35  }
0x161: {  	v49 =	vor.u32 v11, v38;
	v37 =	vld.idx.msk [tilespmem:v46+s12+$0x0], $0xffff  }
0x162: {  	v39 =	vld.idx.msk [tilespmem:v47+s12+$0x0], $0xffff  }
0x163: {  	v50 =	vor.u32 v12, v38  }
0x164: {  	v36 =	vld.idx.msk [tilespmem:v48+s12+$0x0], $0xffff  }
0x165: {  	v51 =	vor.u32 v13, v38  }
0x166: {  	v35 =	vld.idx.msk [tilespmem:v49+s12+$0x0], $0xffff  }
0x167: {  	v52 =	vor.u32 v14, v38;
	v37 =	vmul.f32 v37, v27;
	v39 =	vmul.f32 v39, v28  }
0x168: {  	v40 =	vld.idx.msk [tilespmem:v50+s12+$0x0], $0xffff  }
0x169: {  	v38 =	vor.u32 v15, v38;
	v36 =	vmul.f32 v36, v29;
	v37 =	vadd.f32 v39, v37  }
0x16a: {  	v53 =	vld.idx.msk [tilespmem:v51+s12+$0x0], $0xffff  }
0x16b: {  	v35 =	vmul.f32 v35, v30;
	v36 =	vadd.f32 v36, v37  }
0x16c: {  	v54 =	vld.idx.msk [tilespmem:v52+s12+$0x0], $0xffff  }
0x16d: {  	v55 =	vmul.f32 v40, v31;
	v35 =	vadd.f32 v35, v36  }
0x16e: {  	v38 =	vld.idx.msk [tilespmem:v38+s12+$0x0], $0xffff  }
0x16f: {  	v56 =	vmul.f32 v53, v32;
	v35 =	vadd.f32 v55, v35;
	_ =	sdelay $0x1  }
0x170: {  	v57 =	vmul.f32 v54, v34;
	v35 =	vadd.f32 v56, v35  }
0x171: {  	v58 =	vadd.s32 s30, v16  }
0x172: {  	v59 =	vmul.f32 v38, v33;
	v35 =	vadd.f32 v57, v35;
	_ =	sdelay $0x1  }
0x173: {  	v35 =	vadd.f32 v59, v35;
	_ =	sdelay $0x1  }
0x174: {  	[tilespmem:v58+s19+$0x0] =	vst.idx.msk $0xffff, v35  }
0x175: {  	v35 =	vld.idx.msk [tilespmem:v0+s13+$0x0], $0xffff  }
0x176: {  	v60 =	vld.idx.msk [tilespmem:v17+s13+$0x0], $0xffff;
	_ =	sdelay $0x1  }
0x177: {  	v37 =	vld.idx.msk [tilespmem:v18+s13+$0x0], $0xffff;
	_ =	sdelay $0x1  }
0x178: {  	v61 =	vld.idx.msk [tilespmem:v19+s13+$0x0], $0xffff  }
0x179: {  	v27 =	vmul.f32 v35, v27;
	v28 =	vmul.f32 v60, v28  }
0x17a: {  	v62 =	vld.idx.msk [tilespmem:v21+s13+$0x0], $0xffff  }
0x17b: {  	v29 =	vmul.f32 v37, v29;
	v28 =	vadd.f32 v28, v27;
	v27 =	vor.u32 $0x70, v0  }
0x17c: {  	v63 =	vld.idx.msk [tilespmem:v22+s13+$0x0], $0xffff  }
0x17d: {  	v28 =	vadd.f32 v29, v28;
	v29 =	vmul.f32 v61, v30  }
0x17e: {  	v30 =	vld.idx.msk [tilespmem:v23+s13+$0x0], $0xffff  }
0x17f: {  	v28 =	vadd.f32 v29, v28;
	v29 =	vmul.f32 v62, v31  }
0x180: {  	v31 =	vld.idx.msk [tilespmem:v27+s13+$0x0], $0xffff  }
0x181: {  	v28 =	vadd.f32 v29, v28;
	v29 =	vmul.f32 v63, v32;
	_ =	sdelay $0x1  }
0x182: {  	s31 =	sshll.u32 s26, $0x5;
	v30 =	vmul.f32 v30, v34;
	v29 =	vadd.f32 v29, v28  }
0x183: {  	s0 =	sadd.s32 s6, s31;
	v28 =	vadd.s32 $0x80, v16  }
0x184: {  	p1 =	seq.s32 s26, $0x7F;
	s0 =	smul.u32 $0x81, s0;
	v29 =	vadd.f32 v30, v29;
	v30 =	vmul.f32 v31, v33  }
.Ltmp1:
0x185: {  	_ = 	snop;
	(pc) =	sbr.rel @p1 .LBB2_6-.Ltmp1, $4  }
0x186: {  	v29 =	vadd.f32 v30, v29  }
0x187: {  	s0 =	sshrl.u32 s0, $0x3  }
0x188: {  	s0 =	sadd.s32 s4, s0;
	[tilespmem:v28+s19+$0x0] =	vst.idx.msk $0xffff, v29  }
0x189: {  	[hbm4b:s0+s5] =	stream.linear.scatter [tilespmem:s19], [sflag:$0x5], $0x810, $0x38;
	[tilespmem:$0xC220] =	vst v63  }
0x18a: {  	s0 =	sadd.s32 $0x60, s29  }
0x18b: {  	v29 =	vadd.s32 s0, v3  }
0x18c: {  	v29 =	vand.u32 $0xFFF8, v29  }
0x18d: {  	v30 =	vadd.s32 s0, v2;
	v29 =	vor.u32 v7, v29  }
0x18e: {  	v30 =	vand.u32 $0xFFF8, v30  }
0x18f: {  	v30 =	vor.u32 v6, v30  }
0x190: {  	v31 =	vadd.s32 s0, v1  }
0x191: {  	v31 =	vand.u32 $0xFFF8, v31  }
0x192: {  	v31 =	vor.u32 v5, v31;
	v29 =	vld.idx.msk [tilespmem:v29+s5+$0x0], $0xffff;
	_ =	sdelay $0x1  }
0x193: {  	v30 =	vld.idx.msk [tilespmem:v30+s5+$0x0], $0xffff;
	_ =	sdelay $0x2  }
0x194: {  	v31 =	vld.idx.msk [tilespmem:v31+s5+$0x0], $0xffff;
	v29 =	vmul.f32 v29, v20;
	_ =	sdelay $0x1  }
0x195: {  	v30 =	vmul.f32 v30, v20;
	v29 =	vmax.f32 v29, $-1.000000000e+00  }
0x196: {  	v29 =	vmin.f32 v29, $1.000000000e+00  }
0x197: {  	v30 =	vmax.f32 v30, $-1.000000000e+00;
	v29 =	vadd.f32 $1.000000000e+00, v29  }
0x198: {  	v31 =	vmul.f32 v31, v20;
	v30 =	vmin.f32 v30, $1.000000000e+00  }
0x199: {  	v30 =	vadd.f32 $1.000000000e+00, v30;
	v29 =	vmul.f32 $4.750000000e+01, v29  }
0x19a: {  	v31 =	vmax.f32 v31, $-1.000000000e+00  }
0x19b: {  	v31 =	vmin.f32 v31, $1.000000000e+00;
	v30 =	vmul.f32 $4.750000000e+01, v30;
	v29 =	vtrunc.f32 v29  }
0x19c: {  	v31 =	vadd.f32 $1.000000000e+00, v31;
	v29 =	vcvt.f32.s32 v29  }
0x19d: {  	v30 =	vtrunc.f32 v30  }
0x19e: {  	v31 =	vmul.f32 $4.750000000e+01, v31;
	v30 =	vcvt.f32.s32 v30;
	vm0 =	vlt.s32 v29, $0x5E  }
0x19f: {  	v29 =	vnsel vm0, $0x5E, v29  }
0x1a0: {  	v31 =	vtrunc.f32 v31;
	vm14 =	vlt.s32 v30, $0x5E;
	v29 =	vmul.u32 $0x60, v29  }
0x1a1: {  	v31 =	vcvt.f32.s32 v31;
	v30 =	vnsel vm14, $0x5E, v30  }
0x1a2: {  	v29 =	vadd.s32 v30, v29  }
0x1a3: {  	vm15 =	vlt.s32 v31, $0x5E;
	v29 =	vmul.u32 $0x60, v29  }
0x1a4: {  	v30 =	vnsel vm15, $0x5E, v31  }
0x1a5: {  	v29 =	vadd.s32 v30, v29  }
0x1a6: {  	[tilespmem:$0x3000] =	vst v29;
	v30 =	vadd.s32 $0x1, v29  }
0x1a7: {  	[tilespmem:$0x3010] =	vst v30;
	v30 =	vadd.s32 $0x60, v29  }
0x1a8: {  	[tilespmem:$0x3020] =	vst v30;
	v30 =	vadd.s32 $0x61, v29  }
0x1a9: {  	[tilespmem:$0x3030] =	vst v30;
	v30 =	vadd.s32 $0x2400, v29  }
0x1aa: {  	[tilespmem:$0x3040] =	vst v30;
	v30 =	vadd.s32 $0x2401, v29  }
0x1ab: {  	[tilespmem:$0x3050] =	vst v30;
	v30 =	vadd.s32 $0x2460, v29  }
0x1ac: {  	v29 =	vadd.s32 $0x2461, v29;
	[tilespmem:$0x3060] =	vst v30  }
0x1ad: {  	[tilespmem:$0x3070] =	vst v29  }
0x1ae: {  	[tilespmem:s12], [sflag:$0x1] =	stream.indirect.gather [hbm4b:s1+s10], $0x80, s11, s10, $0xb8;
	[tilespmem:$0xC220] =	vst v63  }
0x1af: {  	_ = 	snop  }
0x1b0: {  	[tilespmem:s13], [sflag:$0x3] =	stream.indirect.gather [hbm4b:s2+s10], $0x1, s11, s10, $0xb8;
	[tilespmem:$0xC220] =	vst v63  }
.LBB2_6:
0x1b1: {  	_ =	sdelay $0x3  }
0x1b2: {  	v24 =	vld.idx.msk [tilespmem:v24+s5+$0x0], $0xffff;
	_ =	sdelay $0x1  }
0x1b3: {  	v25 =	vld.idx.msk [tilespmem:v25+s5+$0x0], $0xffff  }
0x1b4: {  	v26 =	vld.idx.msk [tilespmem:v26+s5+$0x0], $0xffff;
	_ =	sdelay $0x1  }
0x1b5: {  	v30 =	vmul.f32 v24, v20;
	_ =	sdelay $0x1  }
0x1b6: {  	v31 =	vmul.f32 v25, v20;
	v30 =	vmax.f32 v30, $-1.000000000e+00  }
0x1b7: {  	s0 =	simm.s32 $0x0;
	v29 =	vmul.f32 v26, v20;
	v30 =	vmin.f32 v30, $1.000000000e+00  }
0x1b8: {  	v35 =	vmov s0;
	v31 =	vmax.f32 v31, $-1.000000000e+00;
	v30 =	vadd.f32 $1.000000000e+00, v30  }
0x1b9: {  	v53 =	vand.u32 $0x7C, v35;
	v29 =	vmax.f32 v29, $-1.000000000e+00;
	v31 =	vmin.f32 v31, $1.000000000e+00  }
0x1ba: {  	v29 =	vmin.f32 v29, $1.000000000e+00;
	v31 =	vadd.f32 $1.000000000e+00, v31;
	v30 =	vmul.f32 $4.750000000e+01, v30  }
0x1bb: {  	v54 =	vor.u32 v10, v53;
	v29 =	vadd.f32 $1.000000000e+00, v29  }
0x1bc: {  	v26 =	vand.u32 $0x7FFFFFFF, v26;
	v31 =	vmul.f32 $4.750000000e+01, v31;
	v33 =	vtrunc.f32 v30  }
0x1bd: {  	v25 =	vand.u32 $0x7FFFFFFF, v25;
	v29 =	vmul.f32 $4.750000000e+01, v29;
	v33 =	vcvt.f32.s32 v33  }
0x1be: {  	_ =	swait.ge [sflag:s20], $0x4000;
	v24 =	vand.u32 $0x7FFFFFFF, v24;
	vm13 =	vlt.f32 v26, $1.500000000e+00;
	v34 =	vtrunc.f32 v31  }
0x1bf: {  	[sflag:s20] =	ssyncset.done $0x0;
	v32 =	vtrunc.f32 v29;
	v34 =	vcvt.f32.s32 v34;
	vm0 =	vlt.s32 v33, $0x5E  }
0x1c0: {  	[sflag:s20] =	ssyncadd.s32 $0xFFFFC000;
	v26 =	vor.u32 v4, v53;
	v32 =	vcvt.f32.s32 v32;
	v33 =	vnsel vm0, $0x5E, v33  }
0x1c1: {  	_ =	swait.ge [sflag:s21], $0x80;
	vm14 =	vlt.f32 v25, $1.500000000e+00;
	vm12 =	vlt.s32 v34, $0x5E;
	v33 =	vcvt.s32.f32 v33  }
0x1c2: {  	[sflag:s21] =	ssyncset.done $0x0;
	v25 =	vor.u32 v9, v53;
	vm1 =	vlt.s32 v32, $0x5E;
	v34 =	vnsel vm12, $0x5E, v34  }
0x1c3: {  	s3 =	simm.s32 @!p0 $0x6;
	[sflag:s21] =	ssyncadd.s32 $0xFFFFFF80;
	v32 =	vnsel vm1, $0x5E, v32;
	v34 =	vcvt.s32.f32 v34;
	v30 =	vsub.f32 v30, v33  }
0x1c4: {  	vm15 =	vlt.f32 v24, $1.500000000e+00;
	_ =	swait.ge @!p0 [sflag:s3], $0x810;
	vm0 =	vmand vm13, vm14;
	v32 =	vcvt.s32.f32 v32  }
0x1c5: {  	[sflag:s3] =	ssyncset.done @!p0 $0x0;
	vm0 =	vmand vm0, vm15;
	v31 =	vsub.f32 v31, v34;
	v24 =	vsub.f32 $1.000000000e+00, v30  }
0x1c6: {  	[sflag:s3] =	ssyncadd.s32 @!p0 $0xFFFFF7F0;
	v55 =	vsub.f32 v29, v32;
	v29 =	vsel vm0, $0x3F800000, v8  }
0x1c7: {  	v37 =	vor.u32 v11, v53;
	v36 =	vld.idx.msk [tilespmem:v26+s15+$0x0], $0xffff;
	v56 =	vsub.f32 $1.000000000e+00, v31;
	v24 =	vmul.f32 v24, v29  }
0x1c8: {  	v38 =	vld.idx.msk [tilespmem:v25+s15+$0x0], $0xffff  }
0x1c9: {  	v40 =	vor.u32 v12, v53;
	v39 =	vsub.f32 $1.000000000e+00, v55;
	v25 =	vmul.f32 v24, v56  }
0x1ca: {  	v34 =	vld.idx.msk [tilespmem:v54+s15+$0x0], $0xffff;
	v41 =	vmul.f32 v24, v31  }
0x1cb: {  	v42 =	vor.u32 v13, v53;
	v24 =	vmul.f32 v25, v39;
	v25 =	vmul.f32 v25, v55  }
0x1cc: {  	v37 =	vld.idx.msk [tilespmem:v37+s15+$0x0], $0xffff;
	v43 =	vmul.f32 v30, v29;
	v26 =	vmul.f32 v41, v39  }
0x1cd: {  	v44 =	vor.u32 v14, v53;
	v30 =	vmul.f32 v36, v24;
	v57 =	vmul.f32 v38, v25  }
0x1ce: {  	v58 =	vld.idx.msk [tilespmem:v40+s15+$0x0], $0xffff;
	v33 =	vor.u32 v15, v53;
	v32 =	vmul.f32 v43, v56  }
0x1cf: {  	v29 =	vmul.f32 v41, v55;
	v34 =	vmul.f32 v34, v26;
	v36 =	vadd.f32 v57, v30  }
0x1d0: {  	v59 =	vld.idx.msk [tilespmem:v42+s15+$0x0], $0xffff  }
0x1d1: {  	v60 =	vmul.f32 v37, v29;
	v30 =	vmul.f32 v32, v39;
	v34 =	vadd.f32 v34, v36  }
0x1d2: {  	v62 =	vld.idx.msk [tilespmem:v44+s15+$0x0], $0xffff;
	v61 =	vmul.f32 v43, v31  }
0x1d3: {  	v31 =	vmul.f32 v32, v55;
	v63 =	vmul.f32 v58, v30;
	v34 =	vadd.f32 v60, v34  }
0x1d4: {  	v42 =	vld.idx.msk [tilespmem:v33+s15+$0x0], $0xffff  }
0x1d5: {  	s7 =	simm.s32 $0x1;
	v43 =	vmul.f32 v59, v31;
	v32 =	vmul.f32 v61, v39;
	v34 =	vadd.f32 v63, v34  }
0x1d6: {  	v45 =	vmov s7  }
0x1d7: {  	v33 =	vmul.f32 v61, v55;
	v44 =	vmul.f32 v62, v32;
	v34 =	vadd.f32 v43, v34  }
0x1d8: {  	v46 =	vadd.s32 s0, v16;
	v36 =	vand.u32 $0x7D, v45  }
0x1d9: {  	v47 =	vmul.f32 v42, v33;
	v48 =	vor.u32 v4, v36;
	v34 =	vadd.f32 v44, v34  }
0x1da: {  	v49 =	vor.u32 v9, v36  }
0x1db: {  	v34 =	vadd.f32 v47, v34  }
0x1dc: {  	v50 =	vor.u32 v10, v36  }
0x1dd: {  	[tilespmem:v46+s22+$0x0] =	vst.idx.msk $0xffff, v34  }
0x1de: {  	v51 =	vor.u32 v11, v36;
	v34 =	vld.idx.msk [tilespmem:v48+s15+$0x0], $0xffff  }
0x1df: {  	v52 =	vld.idx.msk [tilespmem:v49+s15+$0x0], $0xffff  }
0x1e0: {  	v53 =	vor.u32 v12, v36  }
0x1e1: {  	v35 =	vld.idx.msk [tilespmem:v50+s15+$0x0], $0xffff  }
0x1e2: {  	v54 =	vor.u32 v13, v36  }
0x1e3: {  	v37 =	vld.idx.msk [tilespmem:v51+s15+$0x0], $0xffff  }
0x1e4: {  	v55 =	vor.u32 v14, v36;
	v34 =	vmul.f32 v34, v24;
	v38 =	vmul.f32 v52, v25  }
0x1e5: {  	v39 =	vld.idx.msk [tilespmem:v53+s15+$0x0], $0xffff  }
0x1e6: {  	v36 =	vor.u32 v15, v36;
	v35 =	vmul.f32 v35, v26;
	v34 =	vadd.f32 v38, v34  }
0x1e7: {  	v56 =	vld.idx.msk [tilespmem:v54+s15+$0x0], $0xffff  }
0x1e8: {  	v57 =	vmul.f32 v37, v29;
	v34 =	vadd.f32 v35, v34  }
0x1e9: {  	v58 =	vld.idx.msk [tilespmem:v55+s15+$0x0], $0xffff  }
0x1ea: {  	v59 =	vmul.f32 v39, v30;
	v34 =	vadd.f32 v57, v34  }
0x1eb: {  	v36 =	vld.idx.msk [tilespmem:v36+s15+$0x0], $0xffff  }
0x1ec: {  	v60 =	vmul.f32 v56, v31;
	v34 =	vadd.f32 v59, v34  }
0x1ed: {  	s31 =	simm.s32 $0x2  }
0x1ee: {  	v62 =	vmov s31;
	v61 =	vmul.f32 v58, v32;
	v34 =	vadd.f32 v60, v34  }
0x1ef: {  	v63 =	vadd.s32 s7, v16;
	v37 =	vand.u32 $0x7E, v62  }
0x1f0: {  	v42 =	vmul.f32 v36, v33;
	v43 =	vor.u32 v4, v37;
	v34 =	vadd.f32 v61, v34  }
0x1f1: {  	v44 =	vor.u32 v9, v37  }
0x1f2: {  	v34 =	vadd.f32 v42, v34  }
0x1f3: {  	v45 =	vor.u32 v10, v37  }
0x1f4: {  	[tilespmem:v63+s22+$0x0] =	vst.idx.msk $0xffff, v34  }
0x1f5: {  	v46 =	vor.u32 v11, v37;
	v34 =	vld.idx.msk [tilespmem:v43+s15+$0x0], $0xffff  }
0x1f6: {  	v38 =	vld.idx.msk [tilespmem:v44+s15+$0x0], $0xffff  }
0x1f7: {  	v47 =	vor.u32 v12, v37  }
0x1f8: {  	v35 =	vld.idx.msk [tilespmem:v45+s15+$0x0], $0xffff  }
0x1f9: {  	v48 =	vor.u32 v13, v37  }
0x1fa: {  	v36 =	vld.idx.msk [tilespmem:v46+s15+$0x0], $0xffff  }
0x1fb: {  	v49 =	vor.u32 v14, v37;
	v34 =	vmul.f32 v34, v24;
	v38 =	vmul.f32 v38, v25  }
0x1fc: {  	v39 =	vld.idx.msk [tilespmem:v47+s15+$0x0], $0xffff  }
0x1fd: {  	v37 =	vor.u32 v15, v37;
	v35 =	vmul.f32 v35, v26;
	v34 =	vadd.f32 v38, v34  }
0x1fe: {  	v50 =	vld.idx.msk [tilespmem:v48+s15+$0x0], $0xffff  }
0x1ff: {  	v51 =	vmul.f32 v36, v29;
	v34 =	vadd.f32 v35, v34  }
0x200: {  	v52 =	vld.idx.msk [tilespmem:v49+s15+$0x0], $0xffff  }
0x201: {  	v53 =	vmul.f32 v39, v30;
	v34 =	vadd.f32 v51, v34  }
0x202: {  	v37 =	vld.idx.msk [tilespmem:v37+s15+$0x0], $0xffff  }
0x203: {  	v54 =	vmul.f32 v50, v31;
	v34 =	vadd.f32 v53, v34  }
0x204: {  	s3 =	simm.s32 $0x3  }
0x205: {  	v56 =	vmov s3;
	v55 =	vmul.f32 v52, v32;
	v34 =	vadd.f32 v54, v34  }
0x206: {  	v58 =	vand.u32 $0x7F, v56;
	v57 =	vadd.s32 s31, v16  }
0x207: {  	v59 =	vmul.f32 v37, v33;
	v36 =	vor.u32 v4, v58;
	v34 =	vadd.f32 v55, v34  }
0x208: {  	v60 =	vor.u32 v9, v58  }
0x209: {  	v61 =	vor.u32 v10, v58;
	v34 =	vadd.f32 v59, v34  }
0x20a: {  	v62 =	vor.u32 v11, v58  }
0x20b: {  	v42 =	vor.u32 v12, v58;
	[tilespmem:v57+s22+$0x0] =	vst.idx.msk $0xffff, v34  }
0x20c: {  	v38 =	vor.u32 v13, v58;
	v35 =	vld.idx.msk [tilespmem:v36+s15+$0x0], $0xffff  }
0x20d: {  	s29 =	simm.s32 $0x4;
	v40 =	vor.u32 v14, v58;
	v36 =	vld.idx.msk [tilespmem:v60+s15+$0x0], $0xffff  }
0x20e: {  	v63 =	vmov s29;
	v39 =	vor.u32 v15, v58;
	v37 =	vld.idx.msk [tilespmem:v61+s15+$0x0], $0xffff  }
0x20f: {  	s30 =	simm.s32 $0x8;
	v34 =	vand.u32 $0x7C, v63;
	v41 =	vld.idx.msk [tilespmem:v62+s15+$0x0], $0xffff  }
.LBB2_7:
0x210: {  	p0 =	slt.u32 s30, $0x7C;
	v43 =	vor.u32 v4, v34;
	v44 =	vor.u32 v9, v34;
	v42 =	vld.idx.msk [tilespmem:v42+s15+$0x0], $0xffff;
	s0 =	smov.u32 s30;
	s30 =	sadd.s32 $0x4, s30  }
0x211: {  	v38 =	vld.idx.msk [tilespmem:v38+s15+$0x0], $0xffff  }
0x212: {  	v35 =	vmul.f32 v35, v24;
	v40 =	vld.idx.msk [tilespmem:v40+s15+$0x0], $0xffff  }
0x213: {  	v36 =	vmul.f32 v36, v25;
	v39 =	vld.idx.msk [tilespmem:v39+s15+$0x0], $0xffff;
	_ =	sdelay $0x1  }
0x214: {  	v35 =	vadd.f32 v36, v35;
	v36 =	vmul.f32 v37, v26;
	_ =	sdelay $0x1  }
0x215: {  	v35 =	vadd.f32 v36, v35;
	v36 =	vmul.f32 v41, v29;
	_ =	sdelay $0x1  }
0x216: {  	v35 =	vadd.f32 v36, v35;
	v36 =	vmul.f32 v42, v30;
	_ =	sdelay $0x1  }
0x217: {  	v35 =	vadd.f32 v36, v35;
	v36 =	vmul.f32 v38, v31;
	_ =	sdelay $0x1  }
0x218: {  	v35 =	vadd.f32 v36, v35;
	v36 =	vmul.f32 v40, v32  }
0x219: {  	v37 =	vadd.s32 s3, v16  }
0x21a: {  	v35 =	vadd.f32 v36, v35;
	v36 =	vmul.f32 v39, v33;
	_ =	sdelay $0x1  }
0x21b: {  	v35 =	vadd.f32 v36, v35  }
0x21c: {  	v36 =	vor.u32 v10, v34  }
0x21d: {  	[tilespmem:v37+s22+$0x0] =	vst.idx.msk $0xffff, v35  }
0x21e: {  	v37 =	vor.u32 v11, v34;
	v35 =	vld.idx.msk [tilespmem:v43+s15+$0x0], $0xffff  }
0x21f: {  	v38 =	vld.idx.msk [tilespmem:v44+s15+$0x0], $0xffff  }
0x220: {  	v39 =	vor.u32 v12, v34  }
0x221: {  	v36 =	vld.idx.msk [tilespmem:v36+s15+$0x0], $0xffff  }
0x222: {  	v40 =	vor.u32 v13, v34  }
0x223: {  	v37 =	vld.idx.msk [tilespmem:v37+s15+$0x0], $0xffff  }
0x224: {  	v41 =	vor.u32 v14, v34  }
0x225: {  	v35 =	vmul.f32 v35, v24;
	v38 =	vmul.f32 v38, v25;
	v39 =	vld.idx.msk [tilespmem:v39+s15+$0x0], $0xffff  }
0x226: {  	v34 =	vor.u32 v15, v34  }
0x227: {  	v35 =	vadd.f32 v38, v35;
	v36 =	vmul.f32 v36, v26;
	v38 =	vld.idx.msk [tilespmem:v40+s15+$0x0], $0xffff;
	_ =	sdelay $0x1  }
0x228: {  	v35 =	vadd.f32 v36, v35;
	v36 =	vmul.f32 v37, v29;
	v37 =	vld.idx.msk [tilespmem:v41+s15+$0x0], $0xffff;
	_ =	sdelay $0x1  }
0x229: {  	v35 =	vadd.f32 v36, v35;
	v36 =	vmul.f32 v39, v30;
	v34 =	vld.idx.msk [tilespmem:v34+s15+$0x0], $0xffff;
	_ =	sdelay $0x1  }
0x22a: {  	v35 =	vadd.f32 v36, v35;
	v36 =	vmul.f32 v38, v31  }
0x22b: {  	s3 =	sadd.s32 $0x1, s29  }
0x22c: {  	v35 =	vadd.f32 v36, v35;
	v36 =	vmul.f32 v37, v32;
	v37 =	vmov s3  }
0x22d: {  	v38 =	vadd.s32 s29, v16;
	v37 =	vand.u32 $0x7D, v37  }
0x22e: {  	v35 =	vadd.f32 v36, v35;
	v34 =	vmul.f32 v34, v33;
	v36 =	vor.u32 v4, v37  }
0x22f: {  	v39 =	vor.u32 v9, v37  }
0x230: {  	v34 =	vadd.f32 v34, v35  }
0x231: {  	v35 =	vor.u32 v10, v37  }
0x232: {  	[tilespmem:v38+s22+$0x0] =	vst.idx.msk $0xffff, v34  }
0x233: {  	v34 =	vld.idx.msk [tilespmem:v36+s15+$0x0], $0xffff;
	v36 =	vor.u32 v11, v37  }
0x234: {  	v38 =	vld.idx.msk [tilespmem:v39+s15+$0x0], $0xffff  }
0x235: {  	v39 =	vor.u32 v12, v37  }
0x236: {  	v35 =	vld.idx.msk [tilespmem:v35+s15+$0x0], $0xffff  }
0x237: {  	v40 =	vor.u32 v13, v37  }
0x238: {  	v36 =	vld.idx.msk [tilespmem:v36+s15+$0x0], $0xffff  }
0x239: {  	v41 =	vor.u32 v14, v37;
	v34 =	vmul.f32 v34, v24  }
0x23a: {  	v38 =	vmul.f32 v38, v25;
	v39 =	vld.idx.msk [tilespmem:v39+s15+$0x0], $0xffff  }
0x23b: {  	v37 =	vor.u32 v15, v37  }
0x23c: {  	v34 =	vadd.f32 v38, v34;
	v35 =	vmul.f32 v35, v26;
	v38 =	vld.idx.msk [tilespmem:v40+s15+$0x0], $0xffff;
	_ =	sdelay $0x1  }
0x23d: {  	v34 =	vadd.f32 v35, v34;
	v35 =	vmul.f32 v36, v29;
	v36 =	vld.idx.msk [tilespmem:v41+s15+$0x0], $0xffff;
	_ =	sdelay $0x1  }
0x23e: {  	v34 =	vadd.f32 v35, v34;
	v35 =	vmul.f32 v39, v30;
	v37 =	vld.idx.msk [tilespmem:v37+s15+$0x0], $0xffff;
	_ =	sdelay $0x1  }
0x23f: {  	v34 =	vadd.f32 v35, v34;
	v35 =	vmul.f32 v38, v31  }
0x240: {  	s7 =	sadd.s32 $0x2, s29  }
0x241: {  	v34 =	vadd.f32 v35, v34;
	v35 =	vmul.f32 v36, v32;
	v36 =	vmov s7  }
0x242: {  	v38 =	vadd.s32 s3, v16;
	v36 =	vand.u32 $0x7E, v36  }
0x243: {  	v34 =	vadd.f32 v35, v34;
	v35 =	vmul.f32 v37, v33;
	v37 =	vor.u32 v4, v36  }
0x244: {  	v39 =	vor.u32 v9, v36  }
0x245: {  	v34 =	vadd.f32 v35, v34  }
0x246: {  	v35 =	vor.u32 v10, v36  }
0x247: {  	[tilespmem:v38+s22+$0x0] =	vst.idx.msk $0xffff, v34  }
0x248: {  	v34 =	vld.idx.msk [tilespmem:v37+s15+$0x0], $0xffff;
	v37 =	vor.u32 v11, v36  }
0x249: {  	v38 =	vld.idx.msk [tilespmem:v39+s15+$0x0], $0xffff  }
0x24a: {  	v39 =	vor.u32 v12, v36  }
0x24b: {  	v35 =	vld.idx.msk [tilespmem:v35+s15+$0x0], $0xffff  }
0x24c: {  	v40 =	vor.u32 v13, v36  }
0x24d: {  	v37 =	vld.idx.msk [tilespmem:v37+s15+$0x0], $0xffff  }
0x24e: {  	v41 =	vor.u32 v14, v36  }
0x24f: {  	v34 =	vmul.f32 v34, v24;
	v38 =	vmul.f32 v38, v25;
	v39 =	vld.idx.msk [tilespmem:v39+s15+$0x0], $0xffff  }
0x250: {  	v36 =	vor.u32 v15, v36  }
0x251: {  	v34 =	vadd.f32 v38, v34;
	v35 =	vmul.f32 v35, v26;
	v38 =	vld.idx.msk [tilespmem:v40+s15+$0x0], $0xffff;
	_ =	sdelay $0x1  }
0x252: {  	v34 =	vadd.f32 v35, v34;
	v35 =	vmul.f32 v37, v29;
	v37 =	vld.idx.msk [tilespmem:v41+s15+$0x0], $0xffff;
	_ =	sdelay $0x1  }
0x253: {  	v34 =	vadd.f32 v35, v34;
	v35 =	vmul.f32 v39, v30;
	v36 =	vld.idx.msk [tilespmem:v36+s15+$0x0], $0xffff;
	_ =	sdelay $0x1  }
0x254: {  	v34 =	vadd.f32 v35, v34;
	v35 =	vmul.f32 v38, v31  }
0x255: {  	s3 =	sadd.s32 $0x3, s29;
	s29 =	smov.u32 s0  }
0x256: {  	v34 =	vadd.f32 v35, v34;
	v35 =	vmul.f32 v37, v32;
	v37 =	vmov s3  }
0x257: {  	v38 =	vadd.s32 s7, v16;
	v39 =	vand.u32 $0x7F, v37  }
0x258: {  	v34 =	vadd.f32 v35, v34;
	v35 =	vmul.f32 v36, v33;
	v36 =	vor.u32 v4, v39  }
0x259: {  	v37 =	vor.u32 v9, v39  }
0x25a: {  	v41 =	vor.u32 v10, v39;
	v34 =	vadd.f32 v35, v34  }
0x25b: {  	v43 =	vor.u32 v11, v39  }
.Ltmp2:
0x25c: {  	v42 =	vor.u32 v12, v39;
	[tilespmem:v38+s22+$0x0] =	vst.idx.msk $0xffff, v34;
	(pc) =	sbr.rel @p0 .LBB2_7-.Ltmp2, $4  }
0x25d: {  	v38 =	vor.u32 v13, v39;
	v35 =	vld.idx.msk [tilespmem:v36+s15+$0x0], $0xffff  }
0x25e: {  	v40 =	vor.u32 v14, v39;
	v36 =	vld.idx.msk [tilespmem:v37+s15+$0x0], $0xffff  }
0x25f: {  	v34 =	vmov s29;
	v39 =	vor.u32 v15, v39;
	v37 =	vld.idx.msk [tilespmem:v41+s15+$0x0], $0xffff  }
0x260: {  	v34 =	vand.u32 $0x7C, v34;
	v41 =	vld.idx.msk [tilespmem:v43+s15+$0x0], $0xffff  }
0x261: {  	_ =	sdelay $0x2  }
0x262: {  	v35 =	vmul.f32 v35, v24;
	v36 =	vmul.f32 v36, v25  }
0x263: {  	v42 =	vld.idx.msk [tilespmem:v42+s15+$0x0], $0xffff  }
0x264: {  	v45 =	vmul.f32 v37, v26;
	v35 =	vadd.f32 v36, v35  }
0x265: {  	v46 =	vld.idx.msk [tilespmem:v38+s15+$0x0], $0xffff  }
0x266: {  	v47 =	vmul.f32 v41, v29;
	v35 =	vadd.f32 v45, v35  }
0x267: {  	v48 =	vld.idx.msk [tilespmem:v40+s15+$0x0], $0xffff  }
0x268: {  	v49 =	vmul.f32 v42, v30;
	v35 =	vadd.f32 v47, v35  }
0x269: {  	v39 =	vld.idx.msk [tilespmem:v39+s15+$0x0], $0xffff  }
0x26a: {  	v50 =	vmul.f32 v46, v31;
	v35 =	vadd.f32 v49, v35;
	_ =	sdelay $0x1  }
0x26b: {  	v51 =	vmul.f32 v48, v32;
	v35 =	vadd.f32 v50, v35  }
0x26c: {  	v52 =	vadd.s32 s3, v16  }
0x26d: {  	v53 =	vor.u32 v4, v34;
	v54 =	vmul.f32 v39, v33;
	v35 =	vadd.f32 v51, v35  }
0x26e: {  	v55 =	vor.u32 v9, v34  }
0x26f: {  	v35 =	vadd.f32 v54, v35  }
0x270: {  	v56 =	vor.u32 v10, v34  }
0x271: {  	[tilespmem:v52+s22+$0x0] =	vst.idx.msk $0xffff, v35  }
0x272: {  	v57 =	vor.u32 v11, v34;
	v35 =	vld.idx.msk [tilespmem:v53+s15+$0x0], $0xffff  }
0x273: {  	v58 =	vld.idx.msk [tilespmem:v55+s15+$0x0], $0xffff  }
0x274: {  	v59 =	vor.u32 v12, v34  }
0x275: {  	v36 =	vld.idx.msk [tilespmem:v56+s15+$0x0], $0xffff  }
0x276: {  	v60 =	vor.u32 v13, v34  }
0x277: {  	v37 =	vld.idx.msk [tilespmem:v57+s15+$0x0], $0xffff  }
0x278: {  	v61 =	vor.u32 v14, v34;
	v35 =	vmul.f32 v35, v24;
	v38 =	vmul.f32 v58, v25  }
0x279: {  	v39 =	vld.idx.msk [tilespmem:v59+s15+$0x0], $0xffff  }
0x27a: {  	v62 =	vor.u32 v15, v34;
	v36 =	vmul.f32 v36, v26;
	v35 =	vadd.f32 v38, v35  }
0x27b: {  	v63 =	vld.idx.msk [tilespmem:v60+s15+$0x0], $0xffff  }
0x27c: {  	v40 =	vmul.f32 v37, v29;
	v35 =	vadd.f32 v36, v35  }
0x27d: {  	v41 =	vld.idx.msk [tilespmem:v61+s15+$0x0], $0xffff  }
0x27e: {  	v42 =	vmul.f32 v39, v30;
	v35 =	vadd.f32 v40, v35  }
0x27f: {  	v34 =	vld.idx.msk [tilespmem:v62+s15+$0x0], $0xffff  }
0x280: {  	v43 =	vmul.f32 v63, v31;
	v35 =	vadd.f32 v42, v35  }
0x281: {  	s0 =	sadd.s32 $0x1, s29  }
0x282: {  	v45 =	vmov s0;
	v44 =	vmul.f32 v41, v32;
	v35 =	vadd.f32 v43, v35  }
0x283: {  	v46 =	vadd.s32 s29, v16;
	v37 =	vand.u32 $0x7D, v45  }
0x284: {  	v34 =	vmul.f32 v34, v33;
	v47 =	vor.u32 v4, v37;
	v35 =	vadd.f32 v44, v35  }
0x285: {  	v48 =	vor.u32 v9, v37  }
0x286: {  	v34 =	vadd.f32 v34, v35  }
0x287: {  	v49 =	vor.u32 v10, v37  }
0x288: {  	[tilespmem:v46+s22+$0x0] =	vst.idx.msk $0xffff, v34  }
0x289: {  	v50 =	vor.u32 v11, v37;
	v34 =	vld.idx.msk [tilespmem:v47+s15+$0x0], $0xffff  }
0x28a: {  	v38 =	vld.idx.msk [tilespmem:v48+s15+$0x0], $0xffff  }
0x28b: {  	v51 =	vor.u32 v12, v37  }
0x28c: {  	v35 =	vld.idx.msk [tilespmem:v49+s15+$0x0], $0xffff  }
0x28d: {  	v52 =	vor.u32 v13, v37  }
0x28e: {  	v36 =	vld.idx.msk [tilespmem:v50+s15+$0x0], $0xffff  }
0x28f: {  	v53 =	vor.u32 v14, v37;
	v34 =	vmul.f32 v34, v24;
	v38 =	vmul.f32 v38, v25  }
0x290: {  	v39 =	vld.idx.msk [tilespmem:v51+s15+$0x0], $0xffff  }
0x291: {  	v37 =	vor.u32 v15, v37;
	v35 =	vmul.f32 v35, v26;
	v34 =	vadd.f32 v38, v34  }
0x292: {  	v54 =	vld.idx.msk [tilespmem:v52+s15+$0x0], $0xffff  }
0x293: {  	v55 =	vmul.f32 v36, v29;
	v34 =	vadd.f32 v35, v34  }
0x294: {  	v56 =	vld.idx.msk [tilespmem:v53+s15+$0x0], $0xffff  }
0x295: {  	v57 =	vmul.f32 v39, v30;
	v34 =	vadd.f32 v55, v34  }
0x296: {  	v37 =	vld.idx.msk [tilespmem:v37+s15+$0x0], $0xffff  }
0x297: {  	v58 =	vmul.f32 v54, v31;
	v34 =	vadd.f32 v57, v34  }
0x298: {  	s7 =	sadd.s32 $0x2, s29  }
0x299: {  	v60 =	vmov s7;
	v59 =	vmul.f32 v56, v32;
	v34 =	vadd.f32 v58, v34  }
0x29a: {  	v61 =	vadd.s32 s0, v16;
	v36 =	vand.u32 $0x7E, v60  }
0x29b: {  	v62 =	vmul.f32 v37, v33;
	v63 =	vor.u32 v4, v36;
	v34 =	vadd.f32 v59, v34  }
0x29c: {  	v42 =	vor.u32 v9, v36  }
0x29d: {  	v34 =	vadd.f32 v62, v34  }
0x29e: {  	v43 =	vor.u32 v10, v36  }
0x29f: {  	[tilespmem:v61+s22+$0x0] =	vst.idx.msk $0xffff, v34  }
0x2a0: {  	v44 =	vor.u32 v11, v36;
	v34 =	vld.idx.msk [tilespmem:v63+s15+$0x0], $0xffff  }
0x2a1: {  	v38 =	vld.idx.msk [tilespmem:v42+s15+$0x0], $0xffff  }
0x2a2: {  	v45 =	vor.u32 v12, v36  }
0x2a3: {  	v35 =	vld.idx.msk [tilespmem:v43+s15+$0x0], $0xffff  }
0x2a4: {  	v46 =	vor.u32 v13, v36  }
0x2a5: {  	v37 =	vld.idx.msk [tilespmem:v44+s15+$0x0], $0xffff  }
0x2a6: {  	v47 =	vor.u32 v14, v36;
	v34 =	vmul.f32 v34, v24;
	v38 =	vmul.f32 v38, v25  }
0x2a7: {  	v39 =	vld.idx.msk [tilespmem:v45+s15+$0x0], $0xffff  }
0x2a8: {  	v36 =	vor.u32 v15, v36;
	v35 =	vmul.f32 v35, v26;
	v34 =	vadd.f32 v38, v34  }
0x2a9: {  	v48 =	vld.idx.msk [tilespmem:v46+s15+$0x0], $0xffff  }
0x2aa: {  	v49 =	vmul.f32 v37, v29;
	v34 =	vadd.f32 v35, v34  }
0x2ab: {  	v50 =	vld.idx.msk [tilespmem:v47+s15+$0x0], $0xffff  }
0x2ac: {  	v51 =	vmul.f32 v39, v30;
	v34 =	vadd.f32 v49, v34  }
0x2ad: {  	v36 =	vld.idx.msk [tilespmem:v36+s15+$0x0], $0xffff  }
0x2ae: {  	v52 =	vmul.f32 v48, v31;
	v34 =	vadd.f32 v51, v34  }
0x2af: {  	s30 =	sadd.s32 $0x3, s29  }
0x2b0: {  	v54 =	vmov s30;
	v53 =	vmul.f32 v50, v32;
	v34 =	vadd.f32 v52, v34  }
0x2b1: {  	v55 =	vadd.s32 s7, v16;
	v37 =	vand.u32 $0x7F, v54  }
0x2b2: {  	v56 =	vmul.f32 v36, v33;
	v57 =	vor.u32 v4, v37;
	v34 =	vadd.f32 v53, v34  }
0x2b3: {  	v58 =	vor.u32 v9, v37  }
0x2b4: {  	v34 =	vadd.f32 v56, v34  }
0x2b5: {  	v59 =	vor.u32 v10, v37  }
0x2b6: {  	[tilespmem:v55+s22+$0x0] =	vst.idx.msk $0xffff, v34  }
0x2b7: {  	v60 =	vor.u32 v11, v37;
	v36 =	vld.idx.msk [tilespmem:v57+s15+$0x0], $0xffff  }
0x2b8: {  	v38 =	vld.idx.msk [tilespmem:v58+s15+$0x0], $0xffff  }
0x2b9: {  	v61 =	vor.u32 v12, v37  }
0x2ba: {  	v35 =	vld.idx.msk [tilespmem:v59+s15+$0x0], $0xffff  }
0x2bb: {  	v62 =	vor.u32 v13, v37  }
0x2bc: {  	v34 =	vld.idx.msk [tilespmem:v60+s15+$0x0], $0xffff  }
0x2bd: {  	v63 =	vor.u32 v14, v37;
	v36 =	vmul.f32 v36, v24;
	v38 =	vmul.f32 v38, v25  }
0x2be: {  	v39 =	vld.idx.msk [tilespmem:v61+s15+$0x0], $0xffff  }
0x2bf: {  	v37 =	vor.u32 v15, v37;
	v35 =	vmul.f32 v35, v26;
	v36 =	vadd.f32 v38, v36  }
0x2c0: {  	v44 =	vld.idx.msk [tilespmem:v62+s15+$0x0], $0xffff  }
0x2c1: {  	v34 =	vmul.f32 v34, v29;
	v35 =	vadd.f32 v35, v36  }
0x2c2: {  	v45 =	vld.idx.msk [tilespmem:v63+s15+$0x0], $0xffff  }
0x2c3: {  	v46 =	vmul.f32 v39, v30;
	v34 =	vadd.f32 v34, v35  }
0x2c4: {  	v37 =	vld.idx.msk [tilespmem:v37+s15+$0x0], $0xffff  }
0x2c5: {  	v47 =	vmul.f32 v44, v31;
	v34 =	vadd.f32 v46, v34;
	_ =	sdelay $0x1  }
0x2c6: {  	v48 =	vmul.f32 v45, v32;
	v34 =	vadd.f32 v47, v34  }
0x2c7: {  	v49 =	vadd.s32 s30, v16  }
0x2c8: {  	v50 =	vmul.f32 v37, v33;
	v34 =	vadd.f32 v48, v34;
	_ =	sdelay $0x1  }
0x2c9: {  	v34 =	vadd.f32 v50, v34;
	_ =	sdelay $0x1  }
0x2ca: {  	[tilespmem:v49+s22+$0x0] =	vst.idx.msk $0xffff, v34  }
0x2cb: {  	v34 =	vld.idx.msk [tilespmem:v0+s16+$0x0], $0xffff  }
0x2cc: {  	v51 =	vld.idx.msk [tilespmem:v17+s16+$0x0], $0xffff;
	_ =	sdelay $0x1  }
0x2cd: {  	v36 =	vld.idx.msk [tilespmem:v18+s16+$0x0], $0xffff;
	_ =	sdelay $0x1  }
0x2ce: {  	v52 =	vld.idx.msk [tilespmem:v19+s16+$0x0], $0xffff  }
0x2cf: {  	v53 =	vmul.f32 v34, v24;
	v54 =	vmul.f32 v51, v25  }
0x2d0: {  	v55 =	vld.idx.msk [tilespmem:v21+s16+$0x0], $0xffff  }
0x2d1: {  	v56 =	vmul.f32 v36, v26;
	v24 =	vadd.f32 v54, v53  }
0x2d2: {  	v57 =	vld.idx.msk [tilespmem:v22+s16+$0x0], $0xffff  }
0x2d3: {  	v58 =	vmul.f32 v52, v29;
	v24 =	vadd.f32 v56, v24  }
0x2d4: {  	v59 =	vld.idx.msk [tilespmem:v23+s16+$0x0], $0xffff  }
0x2d5: {  	v60 =	vmul.f32 v55, v30;
	v24 =	vadd.f32 v58, v24  }
0x2d6: {  	v27 =	vld.idx.msk [tilespmem:v27+s16+$0x0], $0xffff  }
0x2d7: {  	v61 =	vmul.f32 v57, v31;
	v24 =	vadd.f32 v60, v24;
	_ =	sdelay $0x1  }
0x2d8: {  	s31 =	sshll.u32 s28, $0x4;
	v62 =	vmul.f32 v59, v32;
	v24 =	vadd.f32 v61, v24  }
0x2d9: {  	s26 =	sadd.s32 $0x1, s26;
	s0 =	sadd.s32 s6, s31  }
0x2da: {  	p0 =	sne.s32 s26, $0x80;
	s0 =	smul.u32 $0x81, s0;
	v63 =	vmul.f32 v27, v33;
	v24 =	vadd.f32 v62, v24  }
.Ltmp3:
0x2db: {  	_ = 	snop;
	(pc) =	sbr.rel @p0 .LBB2_2-.Ltmp3, $4  }
0x2dc: {  	v24 =	vadd.f32 v63, v24  }
0x2dd: {  	s0 =	sshrl.u32 s0, $0x3  }
0x2de: {  	s0 =	sadd.s32 s4, s0;
	[tilespmem:v28+s22+$0x0] =	vst.idx.msk $0xffff, v24  }
0x2df: {  	[hbm4b:s0+s5] =	stream.linear.scatter [tilespmem:s22], [sflag:$0x6], $0x810, $0x38;
	[tilespmem:$0xC220] =	vst v63  }
0x2e0: {  	s25 =	sadd.s32 $0x1, s25  }
0x2e1: {  	_ =	swait.ge [sflag:s23], $0x810;
	p0 =	sne.s32 s25, s8  }
.Ltmp4:
0x2e2: {  	[sflag:s23] =	ssyncset.done $0x0;
	(pc) =	sbr.rel @p0 .LBB2_1-.Ltmp4, $4  }
0x2e3: {  	[sflag:s23] =	ssyncadd.s32 $0xFFFFF7F0  }
0x2e4: {  	_ =	swait.ge [sflag:s24], $0x810  }
0x2e5: {  	[sflag:s24] =	ssyncset.done $0x0  }
0x2e6: {  	[sflag:s24] =	ssyncadd.s32 $0xFFFFF7F0  }
0x2e7: {  	_ =	sfence.sel $0x180000  }
0x2e8: {  	[bflag:$0x0] =	sbarrier.arrive $0xFFFF  }
0x2e9: {  	_ =	strace $0x90000047  }
0x2ea: {  	s0 =	stileid.u32;
	[bflag:$0x2] =	sbarrier.arrive $0xFFFF  }
0x2eb: {  	p0 =	sne.s32 s0, $0x0;
	s0 =	rddreg [dreg:$0x4]  }
0x2ec: {  	s0 =	sadd.s32 @!p0 $0x100000, s0  }
0x2ed: {  	[sflag:s0] =	ssyncadd.tile.s32 @!p0 $0x1;
	_ =	shalt  }
.Lfunc_end2:
_tile_overlayer_lowered:
.L_overlay_start_2:
0x2ee: {  	(tag) =	ssettag $0x2  }
0x2ef: {  	s0 =	rddreg [dreg:$0x0];
	s2 =	stileid.u32  }
0x2f0: {  	s1 =	rddreg [dreg:$0x1];
	p0 =	sne.s32 s2, $0x0  }
0x2f1: {  	s3 =	rddreg [dreg:$0x2];
	[bflag:$0x3] =	sbarrier.arrive $0xFFFF;
	s2 =	simm.s32 @!p0 $0x1C07  }
0x2f2: {  	[timem:s3], [sflag:s2] =	dma.local @!p0 [hbm:s0], s1  }
0x2f3: {  	s0 =	simm.s32 @!p0 $0x7  }
0x2f4: {  	_ =	swait.ge @!p0 [sflag:s0], s1  }
0x2f5: {  	s1 =	ssub.s32 @!p0 $0x0, s1;
	[sflag:s0] =	ssyncset.done @!p0 $0x0  }
0x2f6: {  	[sflag:s0] =	ssyncadd.s32 @!p0 s1  }
0x2f7: {  	[bflag:$0x3] =	sbarrier.arrive $0xFFFF  }
0x2f8: {  	_ =	shalt  }

</sc_bundles>
